<compile_context>
chip_gen: v7x
topology: tpu7x:2x2x1
jax: 0.10.2.dev20260603
libtpu: 0.0.44.dev20260713+nightly
codegen_flags: <defaults>
</compile_context>

<pallas_src>
import functools

import jax
import jax.numpy as jnp
from jax import lax
from jax.experimental import pallas as pl
from jax.experimental.pallas import tpu as pltpu
from jax.experimental.pallas import tpu_sc as plsc


def _pos_embed_sc(row_embed, col_embed, *, b, h, w, d):
    info = plsc.get_sparse_core_info()
    nc, ns, lanes = info.num_cores, info.num_subcores, info.num_lanes
    nw = nc * ns
    dchunks = d // lanes

    mesh = plsc.VectorSubcoreMesh(core_axis_name="c", subcore_axis_name="s")

    @functools.partial(
        pl.kernel,
        out_type=jax.ShapeDtypeStruct((b, h, w, d), jnp.float32),
        mesh=mesh,
        scratch_types=[
            pltpu.VMEM((8, d), jnp.float32),
            pltpu.VMEM((w, d), jnp.float32),
            pltpu.VMEM((w, d), jnp.float32),
            pltpu.SemaphoreType.DMA,
            pltpu.SemaphoreType.DMA,
        ],
        compiler_params=pltpu.CompilerParams(
            use_tc_tiling_on_sc=True, needs_layout_passes=False
        ),
    )
    def body(row_hbm, col_hbm, out_hbm, row_v, col_v, blk_v, stage_sem, sem):
        i = lax.axis_index("s") * nc + lax.axis_index("c")

        g0 = (i // 8) * 8
        hw = w // 2
        st_r = pltpu.async_copy(
            row_hbm.at[pl.ds(g0, 8), :], row_v, stage_sem
        )
        st_c = [
            pltpu.async_copy(
                col_hbm.at[pl.ds(half * hw, hw), :],
                col_v.at[pl.ds(half * hw, hw), :],
                stage_sem,
            )
            for half in range(2)
        ]
        st_r.wait()

        ii = i - g0
        r_chunks = [row_v[ii, pl.ds(k * lanes, lanes)] for k in range(dchunks)]

        def jrow(j, _):
            for k in range(dchunks):
                sl = pl.ds(k * lanes, lanes)
                blk_v[j, sl] = col_v[j, sl] + r_chunks[k]
            return 0

        copies = []
        for half in range(2):
            st_c[half].wait()
            lax.fori_loop(half * hw, (half + 1) * hw, jrow, 0)
            src = blk_v.at[pl.ds(half * hw, hw), :]
            copies += [
                pltpu.async_copy(
                    src, out_hbm.at[bi, i, pl.ds(half * hw, hw)], sem
                )
                for bi in range(b)
            ]
        for c in copies:
            c.wait()

    return body(row_embed, col_embed)


def kernel(x, row_embed, col_embed):
    b = x.shape[0]
    h, w = x.shape[-2], x.shape[-1]
    d = row_embed.shape[1]
    out_bhwd = _pos_embed_sc(row_embed, col_embed, b=b, h=h, w=w, d=d)
    return jnp.transpose(out_bhwd, (0, 3, 1, 2))

# --- scband reference (transcript-rebuilt; emitter-appended) ---
"""Pipeline reference for scband-position-embedding-learned-55241869361198 (READ-ONLY COPY).

The authoritative reference and input builder live on the scoring server;
editing this copy changes nothing except your own understanding.
"""

import jax, jax.numpy as jnp
import numpy as np

PATH_SIZE = 64
NUM_POS_FEATS = 256


def setup_inputs(seed: int = 0) -> dict:
    key = jax.random.key(seed)
    k1, k2, k3 = jax.random.split(key, 3)
    x = jax.random.normal(k1, (8, 768, 32, 32), dtype=jnp.float32)
    # learned params, initialized uniform [0,1) like nn.init.uniform_
    row_embed = jax.random.uniform(k2, (PATH_SIZE, NUM_POS_FEATS), dtype=jnp.float32)
    col_embed = jax.random.uniform(k3, (PATH_SIZE, NUM_POS_FEATS), dtype=jnp.float32)
    return {"x": x, "row_embed": row_embed, "col_embed": col_embed}


def reference(x, row_embed, col_embed):
    h, w = x.shape[-2], x.shape[-1]
    i = jnp.arange(w)
    j = jnp.arange(h)
    # embedding lookup -> gather
    x_emb = jnp.take(col_embed, i, axis=0)            # [w, d]
    y_emb = jnp.take(row_embed, j, axis=0)            # [h, d]
    x_emb = jnp.tile(x_emb[None, :, :], (h, 1, 1))    # [h, w, d]
    y_emb = jnpp_tile(y_emb) if False else jnp.tile(y_emb[:, None, :], (1, w, 1))  # [h, w, d]
    pos = (x_emb + y_emb).transpose(2, 0, 1)          # [d, h, w]
    pos = jnp.tile(pos[None, :, :, :], (x.shape[0], 1, 1, 1))  # [B, d, h, w]
    return pos

if __name__ == "__main__":
    import jax
    _d = setup_inputs()
    print(jax.jit(kernel)(*tuple(_d.values())))

</pallas_src>

<mosaic_0001>
#map = affine_map<(d0, d1) -> (0, 0)>
#map1 = affine_map<(d0, d1) -> (0, 0, 0, 0)>
module attributes {stable_mosaic.version = 14 : i64} {
  func.func @body(%arg0: i32, %arg1: i32, %arg2: memref<64x256xf32, #tpu.memory_space<hbm>>, %arg3: memref<64x256xf32, #tpu.memory_space<hbm>>, %arg4: memref<8x32x32x256xf32, #tpu.memory_space<hbm>>, %arg5: memref<8x256xf32, #tpu.memory_space<vmem>>, %arg6: memref<32x256xf32, #tpu.memory_space<vmem>>, %arg7: memref<32x256xf32, #tpu.memory_space<vmem>>, %arg8: memref<!tpu.dma_semaphore, #tpu.memory_space<semaphore_mem>>, %arg9: memref<!tpu.dma_semaphore, #tpu.memory_space<semaphore_mem>>) attributes {dimension_semantics = [#tpu.dimension_semantics<core_parallel>, #tpu.dimension_semantics<subcore_parallel>], iteration_bounds = array<i64: 2, 16>, scalar_prefetch = 0 : i64, scratch_operands = 5 : i64, tpu.core_type = #tpu.core_type<sc_vector_subcore>, window_params = [{transform_indices = #map}, {transform_indices = #map}, {transform_indices = #map1}]} {
    %mul3A = arith.constant 2 : i32
    %mul3A_0 = arith.muli %arg1, %mul3A : i32
    %add3A = arith.addi %mul3A_0, %arg0 : i32
    %jit3A = arith.constant 8 : i32
    %div3A = arith.divsi %add3A, %jit3A : i32
    %sign3A = arith.constant 0 : i32
    %sign3A_1 = arith.cmpi sgt, %add3A, %sign3A : i32
    %sign3A_2 = arith.extui %sign3A_1 : i1 to i32
    %sign3A_3 = arith.constant 0 : i32
    %sign3A_4 = arith.cmpi slt, %add3A, %sign3A_3 : i32
    %sign3A_5 = arith.extui %sign3A_4 : i1 to i32
    %sign3A_6 = arith.subi %sign3A_2, %sign3A_5 : i32
    %sign3A_7 = arith.constant 0 : i32
    %sign3A_8 = arith.cmpi sgt, %jit3A, %sign3A_7 : i32
    %sign3A_9 = arith.extui %sign3A_8 : i1 to i32
    %sign3A_10 = arith.constant 0 : i32
    %sign3A_11 = arith.cmpi slt, %jit3A, %sign3A_10 : i32
    %sign3A_12 = arith.extui %sign3A_11 : i1 to i32
    %sign3A_13 = arith.subi %sign3A_9, %sign3A_12 : i32
    %ne3A = arith.cmpi ne, %sign3A_6, %sign3A_13 : i32
    %rem3A = arith.remsi %add3A, %jit3A : i32
    %ne3A_14 = arith.constant 0 : i32
    %ne3A_15 = arith.cmpi ne, %rem3A, %ne3A_14 : i32
    %and3A = arith.andi %ne3A, %ne3A_15 : i1
    %sub3A = arith.constant 1 : i32
    %sub3A_16 = arith.subi %div3A, %sub3A : i32
    %select_n3A = arith.select %and3A, %sub3A_16, %div3A : i32
    %mul3A_17 = arith.constant 8 : i32
    %mul3A_18 = arith.muli %select_n3A, %mul3A_17 : i32
    %dma_start3A = arith.constant 0 : i32
    %dma_start3A_19 = tpu.memref_slice %arg2[%mul3A_18, %dma_start3A] : memref<64x256xf32, #tpu.memory_space<hbm>> -> memref<8x256xf32, #tpu.memory_space<hbm>>
    %dma_start3A_20 = arith.constant 0 : i32
    %dma_start3A_21 = tpu.memref_slice %arg2[%mul3A_18, %dma_start3A_20] : memref<64x256xf32, #tpu.memory_space<hbm>> -> memref<8x256xf32, #tpu.memory_space<hbm>>
    tpu.enqueue_dma source(%dma_start3A_21 : memref<8x256xf32, #tpu.memory_space<hbm>>) target(%arg5 : memref<8x256xf32, #tpu.memory_space<vmem>>) target_semaphore(%arg8 : memref<!tpu.dma_semaphore, #tpu.memory_space<semaphore_mem>>)
    %dma_start3A_22 = arith.constant 0 : i32
    %dma_start3A_23 = arith.constant 0 : i32
    %dma_start3A_24 = tpu.memref_slice %arg6[%dma_start3A_22, %dma_start3A_23] : memref<32x256xf32, #tpu.memory_space<vmem>> -> memref<16x256xf32, #tpu.memory_space<vmem>>
    %dma_start3A_25 = arith.constant 0 : i32
    %dma_start3A_26 = arith.constant 0 : i32
    %dma_start3A_27 = tpu.memref_slice %arg3[%dma_start3A_25, %dma_start3A_26] : memref<64x256xf32, #tpu.memory_space<hbm>> -> memref<16x256xf32, #tpu.memory_space<hbm>>
    %dma_start3A_28 = arith.constant 0 : i32
    %dma_start3A_29 = arith.constant 0 : i32
    %dma_start3A_30 = tpu.memref_slice %arg6[%dma_start3A_28, %dma_start3A_29] : memref<32x256xf32, #tpu.memory_space<vmem>> -> memref<16x256xf32, #tpu.memory_space<vmem>>
    %dma_start3A_31 = arith.constant 0 : i32
    %dma_start3A_32 = arith.constant 0 : i32
    %dma_start3A_33 = tpu.memref_slice %arg3[%dma_start3A_31, %dma_start3A_32] : memref<64x256xf32, #tpu.memory_space<hbm>> -> memref<16x256xf32, #tpu.memory_space<hbm>>
    tpu.enqueue_dma source(%dma_start3A_33 : memref<16x256xf32, #tpu.memory_space<hbm>>) target(%dma_start3A_30 : memref<16x256xf32, #tpu.memory_space<vmem>>) target_semaphore(%arg8 : memref<!tpu.dma_semaphore, #tpu.memory_space<semaphore_mem>>)
    %dma_start3A_34 = arith.constant 16 : i32
    %dma_start3A_35 = arith.constant 0 : i32
    %dma_start3A_36 = tpu.memref_slice %arg6[%dma_start3A_34, %dma_start3A_35] : memref<32x256xf32, #tpu.memory_space<vmem>> -> memref<16x256xf32, #tpu.memory_space<vmem>>
    %dma_start3A_37 = arith.constant 16 : i32
    %dma_start3A_38 = arith.constant 0 : i32
    %dma_start3A_39 = tpu.memref_slice %arg3[%dma_start3A_37, %dma_start3A_38] : memref<64x256xf32, #tpu.memory_space<hbm>> -> memref<16x256xf32, #tpu.memory_space<hbm>>
    %dma_start3A_40 = arith.constant 16 : i32
    %dma_start3A_41 = arith.constant 0 : i32
    %dma_start3A_42 = tpu.memref_slice %arg6[%dma_start3A_40, %dma_start3A_41] : memref<32x256xf32, #tpu.memory_space<vmem>> -> memref<16x256xf32, #tpu.memory_space<vmem>>
    %dma_start3A_43 = arith.constant 16 : i32
    %dma_start3A_44 = arith.constant 0 : i32
    %dma_start3A_45 = tpu.memref_slice %arg3[%dma_start3A_43, %dma_start3A_44] : memref<64x256xf32, #tpu.memory_space<hbm>> -> memref<16x256xf32, #tpu.memory_space<hbm>>
    tpu.enqueue_dma source(%dma_start3A_45 : memref<16x256xf32, #tpu.memory_space<hbm>>) target(%dma_start3A_42 : memref<16x256xf32, #tpu.memory_space<vmem>>) target_semaphore(%arg8 : memref<!tpu.dma_semaphore, #tpu.memory_space<semaphore_mem>>)
    %dma_wait3A = arith.constant 0 : i32
    %dma_wait3A_46 = tpu.memref_slice %arg2[%mul3A_18, %dma_wait3A] : memref<64x256xf32, #tpu.memory_space<hbm>> -> memref<8x256xf32, #tpu.memory_space<hbm>>
    %dma_wait3A_47 = arith.constant 0 : i32
    %dma_wait3A_48 = tpu.memref_slice %arg2[%mul3A_18, %dma_wait3A_47] : memref<64x256xf32, #tpu.memory_space<hbm>> -> memref<8x256xf32, #tpu.memory_space<hbm>>
    tpu.wait_dma2 semaphore(%arg8 : memref<!tpu.dma_semaphore, #tpu.memory_space<semaphore_mem>>) src(%dma_wait3A_48 : memref<8x256xf32, #tpu.memory_space<hbm>>) dst(%arg5 : memref<8x256xf32, #tpu.memory_space<vmem>>)
    %sub3A_49 = arith.subi %add3A, %mul3A_18 : i32
    %get3A = arith.index_cast %sub3A_49 : i32 to index
    %get3A_50 = arith.constant 0 : index
    %get3A_51 = tpu.vector_load %arg5[%get3A, %get3A_50] {strides = array<i32>} : memref<8x256xf32, #tpu.memory_space<vmem>>, vector<16xf32>,
    %get3A_52 = arith.index_cast %sub3A_49 : i32 to index
    %get3A_53 = arith.constant 16 : index
    %get3A_54 = tpu.vector_load %arg5[%get3A_52, %get3A_53] {strides = array<i32>} : memref<8x256xf32, #tpu.memory_space<vmem>>, vector<16xf32>,
    %get3A_55 = arith.index_cast %sub3A_49 : i32 to index
    %get3A_56 = arith.constant 32 : index
    %get3A_57 = tpu.vector_load %arg5[%get3A_55, %get3A_56] {strides = array<i32>} : memref<8x256xf32, #tpu.memory_space<vmem>>, vector<16xf32>,
    %get3A_58 = arith.index_cast %sub3A_49 : i32 to index
    %get3A_59 = arith.constant 48 : index
    %get3A_60 = tpu.vector_load %arg5[%get3A_58, %get3A_59] {strides = array<i32>} : memref<8x256xf32, #tpu.memory_space<vmem>>, vector<16xf32>,
    %get3A_61 = arith.index_cast %sub3A_49 : i32 to index
    %get3A_62 = arith.constant 64 : index
    %get3A_63 = tpu.vector_load %arg5[%get3A_61, %get3A_62] {strides = array<i32>} : memref<8x256xf32, #tpu.memory_space<vmem>>, vector<16xf32>,
    %get3A_64 = arith.index_cast %sub3A_49 : i32 to index
    %get3A_65 = arith.constant 80 : index
    %get3A_66 = tpu.vector_load %arg5[%get3A_64, %get3A_65] {strides = array<i32>} : memref<8x256xf32, #tpu.memory_space<vmem>>, vector<16xf32>,
    %get3A_67 = arith.index_cast %sub3A_49 : i32 to index
    %get3A_68 = arith.constant 96 : index
    %get3A_69 = tpu.vector_load %arg5[%get3A_67, %get3A_68] {strides = array<i32>} : memref<8x256xf32, #tpu.memory_space<vmem>>, vector<16xf32>,
    %get3A_70 = arith.index_cast %sub3A_49 : i32 to index
    %get3A_71 = arith.constant 112 : index
    %get3A_72 = tpu.vector_load %arg5[%get3A_70, %get3A_71] {strides = array<i32>} : memref<8x256xf32, #tpu.memory_space<vmem>>, vector<16xf32>,
    %get3A_73 = arith.index_cast %sub3A_49 : i32 to index
    %get3A_74 = arith.constant 128 : index
    %get3A_75 = tpu.vector_load %arg5[%get3A_73, %get3A_74] {strides = array<i32>} : memref<8x256xf32, #tpu.memory_space<vmem>>, vector<16xf32>,
    %get3A_76 = arith.index_cast %sub3A_49 : i32 to index
    %get3A_77 = arith.constant 144 : index
    %get3A_78 = tpu.vector_load %arg5[%get3A_76, %get3A_77] {strides = array<i32>} : memref<8x256xf32, #tpu.memory_space<vmem>>, vector<16xf32>,
    %get3A_79 = arith.index_cast %sub3A_49 : i32 to index
    %get3A_80 = arith.constant 160 : index
    %get3A_81 = tpu.vector_load %arg5[%get3A_79, %get3A_80] {strides = array<i32>} : memref<8x256xf32, #tpu.memory_space<vmem>>, vector<16xf32>,
    %get3A_82 = arith.index_cast %sub3A_49 : i32 to index
    %get3A_83 = arith.constant 176 : index
    %get3A_84 = tpu.vector_load %arg5[%get3A_82, %get3A_83] {strides = array<i32>} : memref<8x256xf32, #tpu.memory_space<vmem>>, vector<16xf32>,
    %get3A_85 = arith.index_cast %sub3A_49 : i32 to index
    %get3A_86 = arith.constant 192 : index
    %get3A_87 = tpu.vector_load %arg5[%get3A_85, %get3A_86] {strides = array<i32>} : memref<8x256xf32, #tpu.memory_space<vmem>>, vector<16xf32>,
    %get3A_88 = arith.index_cast %sub3A_49 : i32 to index
    %get3A_89 = arith.constant 208 : index
    %get3A_90 = tpu.vector_load %arg5[%get3A_88, %get3A_89] {strides = array<i32>} : memref<8x256xf32, #tpu.memory_space<vmem>>, vector<16xf32>,
    %get3A_91 = arith.index_cast %sub3A_49 : i32 to index
    %get3A_92 = arith.constant 224 : index
    %get3A_93 = tpu.vector_load %arg5[%get3A_91, %get3A_92] {strides = array<i32>} : memref<8x256xf32, #tpu.memory_space<vmem>>, vector<16xf32>,
    %get3A_94 = arith.index_cast %sub3A_49 : i32 to index
    %get3A_95 = arith.constant 240 : index
    %get3A_96 = tpu.vector_load %arg5[%get3A_94, %get3A_95] {strides = array<i32>} : memref<8x256xf32, #tpu.memory_space<vmem>>, vector<16xf32>,
    %dma_wait3A_97 = arith.constant 0 : i32
    %dma_wait3A_98 = arith.constant 0 : i32
    %dma_wait3A_99 = tpu.memref_slice %arg6[%dma_wait3A_97, %dma_wait3A_98] : memref<32x256xf32, #tpu.memory_space<vmem>> -> memref<16x256xf32, #tpu.memory_space<vmem>>
    %dma_wait3A_100 = arith.constant 0 : i32
    %dma_wait3A_101 = arith.constant 0 : i32
    %dma_wait3A_102 = tpu.memref_slice %arg3[%dma_wait3A_100, %dma_wait3A_101] : memref<64x256xf32, #tpu.memory_space<hbm>> -> memref<16x256xf32, #tpu.memory_space<hbm>>
    %dma_wait3A_103 = arith.constant 0 : i32
    %dma_wait3A_104 = arith.constant 0 : i32
    %dma_wait3A_105 = tpu.memref_slice %arg6[%dma_wait3A_103, %dma_wait3A_104] : memref<32x256xf32, #tpu.memory_space<vmem>> -> memref<16x256xf32, #tpu.memory_space<vmem>>
    %dma_wait3A_106 = arith.constant 0 : i32
    %dma_wait3A_107 = arith.constant 0 : i32
    %dma_wait3A_108 = tpu.memref_slice %arg3[%dma_wait3A_106, %dma_wait3A_107] : memref<64x256xf32, #tpu.memory_space<hbm>> -> memref<16x256xf32, #tpu.memory_space<hbm>>
    tpu.wait_dma2 semaphore(%arg8 : memref<!tpu.dma_semaphore, #tpu.memory_space<semaphore_mem>>) src(%dma_wait3A_108 : memref<16x256xf32, #tpu.memory_space<hbm>>) dst(%dma_wait3A_105 : memref<16x256xf32, #tpu.memory_space<vmem>>)
    %scan3A = arith.constant 0 : i32
    %scan3A_109 = arith.constant 0 : i32
    %scan3A_110 = arith.constant 16 : i32
    %scan3A_111 = arith.addi %scan3A_109, %scan3A_110 : i32
    %scan3A_112 = arith.constant 1 : i32
    %scan3A_113 = scf.for %scan3A_614 = %scan3A_109 to %scan3A_111 step %scan3A_112 iter_args(%scan3A_615 = %scan3A) -> (i32)  : i32 {
      %get3A_616 = arith.index_cast %scan3A_614 : i32 to index
      %get3A_617 = arith.constant 0 : index
      %get3A_618 = tpu.vector_load %arg6[%get3A_616, %get3A_617] {strides = array<i32>} : memref<32x256xf32, #tpu.memory_space<vmem>>, vector<16xf32>,
      %add3A_619 = arith.addf %get3A_618, %get3A_51 : vector<16xf32>
      %swap3A = arith.index_cast %scan3A_614 : i32 to index
      %swap3A_620 = arith.constant 0 : index
      %swap3A_621 = tpu.vector_load %arg7[%swap3A, %swap3A_620] {strides = array<i32>} : memref<32x256xf32, #tpu.memory_space<vmem>>, vector<16xf32>,
      tpu.vector_store %arg7[%swap3A, %swap3A_620], %add3A_619 {strides = array<i32>} : memref<32x256xf32, #tpu.memory_space<vmem>>, vector<16xf32>,
      %get3A_622 = arith.index_cast %scan3A_614 : i32 to index
      %get3A_623 = arith.constant 16 : index
      %get3A_624 = tpu.vector_load %arg6[%get3A_622, %get3A_623] {strides = array<i32>} : memref<32x256xf32, #tpu.memory_space<vmem>>, vector<16xf32>,
      %add3A_625 = arith.addf %get3A_624, %get3A_54 : vector<16xf32>
      %swap3A_626 = arith.index_cast %scan3A_614 : i32 to index
      %swap3A_627 = arith.constant 16 : index
      %swap3A_628 = tpu.vector_load %arg7[%swap3A_626, %swap3A_627] {strides = array<i32>} : memref<32x256xf32, #tpu.memory_space<vmem>>, vector<16xf32>,
      tpu.vector_store %arg7[%swap3A_626, %swap3A_627], %add3A_625 {strides = array<i32>} : memref<32x256xf32, #tpu.memory_space<vmem>>, vector<16xf32>,
      %get3A_629 = arith.index_cast %scan3A_614 : i32 to index
      %get3A_630 = arith.constant 32 : index
      %get3A_631 = tpu.vector_load %arg6[%get3A_629, %get3A_630] {strides = array<i32>} : memref<32x256xf32, #tpu.memory_space<vmem>>, vector<16xf32>,
      %add3A_632 = arith.addf %get3A_631, %get3A_57 : vector<16xf32>
      %swap3A_633 = arith.index_cast %scan3A_614 : i32 to index
      %swap3A_634 = arith.constant 32 : index
      %swap3A_635 = tpu.vector_load %arg7[%swap3A_633, %swap3A_634] {strides = array<i32>} : memref<32x256xf32, #tpu.memory_space<vmem>>, vector<16xf32>,
      tpu.vector_store %arg7[%swap3A_633, %swap3A_634], %add3A_632 {strides = array<i32>} : memref<32x256xf32, #tpu.memory_space<vmem>>, vector<16xf32>,
      %get3A_636 = arith.index_cast %scan3A_614 : i32 to index
      %get3A_637 = arith.constant 48 : index
      %get3A_638 = tpu.vector_load %arg6[%get3A_636, %get3A_637] {strides = array<i32>} : memref<32x256xf32, #tpu.memory_space<vmem>>, vector<16xf32>,
      %add3A_639 = arith.addf %get3A_638, %get3A_60 : vector<16xf32>
      %swap3A_640 = arith.index_cast %scan3A_614 : i32 to index
      %swap3A_641 = arith.constant 48 : index
      %swap3A_642 = tpu.vector_load %arg7[%swap3A_640, %swap3A_641] {strides = array<i32>} : memref<32x256xf32, #tpu.memory_space<vmem>>, vector<16xf32>,
      tpu.vector_store %arg7[%swap3A_640, %swap3A_641], %add3A_639 {strides = array<i32>} : memref<32x256xf32, #tpu.memory_space<vmem>>, vector<16xf32>,
      %get3A_643 = arith.index_cast %scan3A_614 : i32 to index
      %get3A_644 = arith.constant 64 : index
      %get3A_645 = tpu.vector_load %arg6[%get3A_643, %get3A_644] {strides = array<i32>} : memref<32x256xf32, #tpu.memory_space<vmem>>, vector<16xf32>,
      %add3A_646 = arith.addf %get3A_645, %get3A_63 : vector<16xf32>
      %swap3A_647 = arith.index_cast %scan3A_614 : i32 to index
      %swap3A_648 = arith.constant 64 : index
      %swap3A_649 = tpu.vector_load %arg7[%swap3A_647, %swap3A_648] {strides = array<i32>} : memref<32x256xf32, #tpu.memory_space<vmem>>, vector<16xf32>,
      tpu.vector_store %arg7[%swap3A_647, %swap3A_648], %add3A_646 {strides = array<i32>} : memref<32x256xf32, #tpu.memory_space<vmem>>, vector<16xf32>,
      %get3A_650 = arith.index_cast %scan3A_614 : i32 to index
      %get3A_651 = arith.constant 80 : index
      %get3A_652 = tpu.vector_load %arg6[%get3A_650, %get3A_651] {strides = array<i32>} : memref<32x256xf32, #tpu.memory_space<vmem>>, vector<16xf32>,
      %add3A_653 = arith.addf %get3A_652, %get3A_66 : vector<16xf32>
      %swap3A_654 = arith.index_cast %scan3A_614 : i32 to index
      %swap3A_655 = arith.constant 80 : index
      %swap3A_656 = tpu.vector_load %arg7[%swap3A_654, %swap3A_655] {strides = array<i32>} : memref<32x256xf32, #tpu.memory_space<vmem>>, vector<16xf32>,
      tpu.vector_store %arg7[%swap3A_654, %swap3A_655], %add3A_653 {strides = array<i32>} : memref<32x256xf32, #tpu.memory_space<vmem>>, vector<16xf32>,
      %get3A_657 = arith.index_cast %scan3A_614 : i32 to index
      %get3A_658 = arith.constant 96 : index
      %get3A_659 = tpu.vector_load %arg6[%get3A_657, %get3A_658] {strides = array<i32>} : memref<32x256xf32, #tpu.memory_space<vmem>>, vector<16xf32>,
      %add3A_660 = arith.addf %get3A_659, %get3A_69 : vector<16xf32>
      %swap3A_661 = arith.index_cast %scan3A_614 : i32 to index
      %swap3A_662 = arith.constant 96 : index
      %swap3A_663 = tpu.vector_load %arg7[%swap3A_661, %swap3A_662] {strides = array<i32>} : memref<32x256xf32, #tpu.memory_space<vmem>>, vector<16xf32>,
      tpu.vector_store %arg7[%swap3A_661, %swap3A_662], %add3A_660 {strides = array<i32>} : memref<32x256xf32, #tpu.memory_space<vmem>>, vector<16xf32>,
      %get3A_664 = arith.index_cast %scan3A_614 : i32 to index
      %get3A_665 = arith.constant 112 : index
      %get3A_666 = tpu.vector_load %arg6[%get3A_664, %get3A_665] {strides = array<i32>} : memref<32x256xf32, #tpu.memory_space<vmem>>, vector<16xf32>,
      %add3A_667 = arith.addf %get3A_666, %get3A_72 : vector<16xf32>
      %swap3A_668 = arith.index_cast %scan3A_614 : i32 to index
      %swap3A_669 = arith.constant 112 : index
      %swap3A_670 = tpu.vector_load %arg7[%swap3A_668, %swap3A_669] {strides = array<i32>} : memref<32x256xf32, #tpu.memory_space<vmem>>, vector<16xf32>,
      tpu.vector_store %arg7[%swap3A_668, %swap3A_669], %add3A_667 {strides = array<i32>} : memref<32x256xf32, #tpu.memory_space<vmem>>, vector<16xf32>,
      %get3A_671 = arith.index_cast %scan3A_614 : i32 to index
      %get3A_672 = arith.constant 128 : index
      %get3A_673 = tpu.vector_load %arg6[%get3A_671, %get3A_672] {strides = array<i32>} : memref<32x256xf32, #tpu.memory_space<vmem>>, vector<16xf32>,
      %add3A_674 = arith.addf %get3A_673, %get3A_75 : vector<16xf32>
      %swap3A_675 = arith.index_cast %scan3A_614 : i32 to index
      %swap3A_676 = arith.constant 128 : index
      %swap3A_677 = tpu.vector_load %arg7[%swap3A_675, %swap3A_676] {strides = array<i32>} : memref<32x256xf32, #tpu.memory_space<vmem>>, vector<16xf32>,
      tpu.vector_store %arg7[%swap3A_675, %swap3A_676], %add3A_674 {strides = array<i32>} : memref<32x256xf32, #tpu.memory_space<vmem>>, vector<16xf32>,
      %get3A_678 = arith.index_cast %scan3A_614 : i32 to index
      %get3A_679 = arith.constant 144 : index
      %get3A_680 = tpu.vector_load %arg6[%get3A_678, %get3A_679] {strides = array<i32>} : memref<32x256xf32, #tpu.memory_space<vmem>>, vector<16xf32>,
      %add3A_681 = arith.addf %get3A_680, %get3A_78 : vector<16xf32>
      %swap3A_682 = arith.index_cast %scan3A_614 : i32 to index
      %swap3A_683 = arith.constant 144 : index
      %swap3A_684 = tpu.vector_load %arg7[%swap3A_682, %swap3A_683] {strides = array<i32>} : memref<32x256xf32, #tpu.memory_space<vmem>>, vector<16xf32>,
      tpu.vector_store %arg7[%swap3A_682, %swap3A_683], %add3A_681 {strides = array<i32>} : memref<32x256xf32, #tpu.memory_space<vmem>>, vector<16xf32>,
      %get3A_685 = arith.index_cast %scan3A_614 : i32 to index
      %get3A_686 = arith.constant 160 : index
      %get3A_687 = tpu.vector_load %arg6[%get3A_685, %get3A_686] {strides = array<i32>} : memref<32x256xf32, #tpu.memory_space<vmem>>, vector<16xf32>,
      %add3A_688 = arith.addf %get3A_687, %get3A_81 : vector<16xf32>
      %swap3A_689 = arith.index_cast %scan3A_614 : i32 to index
      %swap3A_690 = arith.constant 160 : index
      %swap3A_691 = tpu.vector_load %arg7[%swap3A_689, %swap3A_690] {strides = array<i32>} : memref<32x256xf32, #tpu.memory_space<vmem>>, vector<16xf32>,
      tpu.vector_store %arg7[%swap3A_689, %swap3A_690], %add3A_688 {strides = array<i32>} : memref<32x256xf32, #tpu.memory_space<vmem>>, vector<16xf32>,
      %get3A_692 = arith.index_cast %scan3A_614 : i32 to index
      %get3A_693 = arith.constant 176 : index
      %get3A_694 = tpu.vector_load %arg6[%get3A_692, %get3A_693] {strides = array<i32>} : memref<32x256xf32, #tpu.memory_space<vmem>>, vector<16xf32>,
      %add3A_695 = arith.addf %get3A_694, %get3A_84 : vector<16xf32>
      %swap3A_696 = arith.index_cast %scan3A_614 : i32 to index
      %swap3A_697 = arith.constant 176 : index
      %swap3A_698 = tpu.vector_load %arg7[%swap3A_696, %swap3A_697] {strides = array<i32>} : memref<32x256xf32, #tpu.memory_space<vmem>>, vector<16xf32>,
      tpu.vector_store %arg7[%swap3A_696, %swap3A_697], %add3A_695 {strides = array<i32>} : memref<32x256xf32, #tpu.memory_space<vmem>>, vector<16xf32>,
      %get3A_699 = arith.index_cast %scan3A_614 : i32 to index
      %get3A_700 = arith.constant 192 : index
      %get3A_701 = tpu.vector_load %arg6[%get3A_699, %get3A_700] {strides = array<i32>} : memref<32x256xf32, #tpu.memory_space<vmem>>, vector<16xf32>,
      %add3A_702 = arith.addf %get3A_701, %get3A_87 : vector<16xf32>
      %swap3A_703 = arith.index_cast %scan3A_614 : i32 to index
      %swap3A_704 = arith.constant 192 : index
      %swap3A_705 = tpu.vector_load %arg7[%swap3A_703, %swap3A_704] {strides = array<i32>} : memref<32x256xf32, #tpu.memory_space<vmem>>, vector<16xf32>,
      tpu.vector_store %arg7[%swap3A_703, %swap3A_704], %add3A_702 {strides = array<i32>} : memref<32x256xf32, #tpu.memory_space<vmem>>, vector<16xf32>,
      %get3A_706 = arith.index_cast %scan3A_614 : i32 to index
      %get3A_707 = arith.constant 208 : index
      %get3A_708 = tpu.vector_load %arg6[%get3A_706, %get3A_707] {strides = array<i32>} : memref<32x256xf32, #tpu.memory_space<vmem>>, vector<16xf32>,
      %add3A_709 = arith.addf %get3A_708, %get3A_90 : vector<16xf32>
      %swap3A_710 = arith.index_cast %scan3A_614 : i32 to index
      %swap3A_711 = arith.constant 208 : index
      %swap3A_712 = tpu.vector_load %arg7[%swap3A_710, %swap3A_711] {strides = array<i32>} : memref<32x256xf32, #tpu.memory_space<vmem>>, vector<16xf32>,
      tpu.vector_store %arg7[%swap3A_710, %swap3A_711], %add3A_709 {strides = array<i32>} : memref<32x256xf32, #tpu.memory_space<vmem>>, vector<16xf32>,
      %get3A_713 = arith.index_cast %scan3A_614 : i32 to index
      %get3A_714 = arith.constant 224 : index
      %get3A_715 = tpu.vector_load %arg6[%get3A_713, %get3A_714] {strides = array<i32>} : memref<32x256xf32, #tpu.memory_space<vmem>>, vector<16xf32>,
      %add3A_716 = arith.addf %get3A_715, %get3A_93 : vector<16xf32>
      %swap3A_717 = arith.index_cast %scan3A_614 : i32 to index
      %swap3A_718 = arith.constant 224 : index
      %swap3A_719 = tpu.vector_load %arg7[%swap3A_717, %swap3A_718] {strides = array<i32>} : memref<32x256xf32, #tpu.memory_space<vmem>>, vector<16xf32>,
      tpu.vector_store %arg7[%swap3A_717, %swap3A_718], %add3A_716 {strides = array<i32>} : memref<32x256xf32, #tpu.memory_space<vmem>>, vector<16xf32>,
      %get3A_720 = arith.index_cast %scan3A_614 : i32 to index
      %get3A_721 = arith.constant 240 : index
      %get3A_722 = tpu.vector_load %arg6[%get3A_720, %get3A_721] {strides = array<i32>} : memref<32x256xf32, #tpu.memory_space<vmem>>, vector<16xf32>,
      %add3A_723 = arith.addf %get3A_722, %get3A_96 : vector<16xf32>
      %swap3A_724 = arith.index_cast %scan3A_614 : i32 to index
      %swap3A_725 = arith.constant 240 : index
      %swap3A_726 = tpu.vector_load %arg7[%swap3A_724, %swap3A_725] {strides = array<i32>} : memref<32x256xf32, #tpu.memory_space<vmem>>, vector<16xf32>,
      tpu.vector_store %arg7[%swap3A_724, %swap3A_725], %add3A_723 {strides = array<i32>} : memref<32x256xf32, #tpu.memory_space<vmem>>, vector<16xf32>,
      %scan3A_727 = arith.constant 0 : i32
      scf.yield %scan3A_727 : i32
    }
    %scan3A_114 = arith.constant 16 : i32
    %dma_start3A_115 = arith.constant 0 : i32
    %dma_start3A_116 = arith.constant 0 : i32
    %dma_start3A_117 = arith.constant 0 : i32
    %dma_start3A_118 = tpu.memref_slice %arg7[%dma_start3A_116, %dma_start3A_117] : memref<32x256xf32, #tpu.memory_space<vmem>> -> memref<16x256xf32, #tpu.memory_space<vmem>>
    %dma_start3A_119 = arith.constant 0 : i32
    %dma_start3A_120 = arith.constant 0 : i32
    %dma_start3A_121 = tpu.memref_slice %arg4[%dma_start3A_115, %add3A, %dma_start3A_119, %dma_start3A_120] : memref<8x32x32x256xf32, #tpu.memory_space<hbm>> -> memref<1x1x16x256xf32, #tpu.memory_space<hbm>>
    %dma_start3A_122 = tpu.memref_squeeze %dma_start3A_121 : memref<1x1x16x256xf32, #tpu.memory_space<hbm>> -> memref<16x256xf32, #tpu.memory_space<hbm>>
    %dma_start3A_123 = arith.constant 0 : i32
    %dma_start3A_124 = arith.constant 0 : i32
    %dma_start3A_125 = tpu.memref_slice %arg4[%dma_start3A_115, %add3A, %dma_start3A_123, %dma_start3A_124] : memref<8x32x32x256xf32, #tpu.memory_space<hbm>> -> memref<1x1x16x256xf32, #tpu.memory_space<hbm>>
    %dma_start3A_126 = tpu.memref_squeeze %dma_start3A_125 : memref<1x1x16x256xf32, #tpu.memory_space<hbm>> -> memref<16x256xf32, #tpu.memory_space<hbm>>
    %dma_start3A_127 = arith.constant 0 : i32
    %dma_start3A_128 = arith.constant 0 : i32
    %dma_start3A_129 = tpu.memref_slice %arg7[%dma_start3A_127, %dma_start3A_128] : memref<32x256xf32, #tpu.memory_space<vmem>> -> memref<16x256xf32, #tpu.memory_space<vmem>>
    tpu.enqueue_dma source(%dma_start3A_129 : memref<16x256xf32, #tpu.memory_space<vmem>>) target(%dma_start3A_126 : memref<16x256xf32, #tpu.memory_space<hbm>>) target_semaphore(%arg9 : memref<!tpu.dma_semaphore, #tpu.memory_space<semaphore_mem>>)
    %dma_start3A_130 = arith.constant 1 : i32
    %dma_start3A_131 = arith.constant 0 : i32
    %dma_start3A_132 = arith.constant 0 : i32
    %dma_start3A_133 = tpu.memref_slice %arg7[%dma_start3A_131, %dma_start3A_132] : memref<32x256xf32, #tpu.memory_space<vmem>> -> memref<16x256xf32, #tpu.memory_space<vmem>>
    %dma_start3A_134 = arith.constant 0 : i32
    %dma_start3A_135 = arith.constant 0 : i32
    %dma_start3A_136 = tpu.memref_slice %arg4[%dma_start3A_130, %add3A, %dma_start3A_134, %dma_start3A_135] : memref<8x32x32x256xf32, #tpu.memory_space<hbm>> -> memref<1x1x16x256xf32, #tpu.memory_space<hbm>>
    %dma_start3A_137 = tpu.memref_squeeze %dma_start3A_136 : memref<1x1x16x256xf32, #tpu.memory_space<hbm>> -> memref<16x256xf32, #tpu.memory_space<hbm>>
    %dma_start3A_138 = arith.constant 0 : i32
    %dma_start3A_139 = arith.constant 0 : i32
    %dma_start3A_140 = tpu.memref_slice %arg4[%dma_start3A_130, %add3A, %dma_start3A_138, %dma_start3A_139] : memref<8x32x32x256xf32, #tpu.memory_space<hbm>> -> memref<1x1x16x256xf32, #tpu.memory_space<hbm>>
    %dma_start3A_141 = tpu.memref_squeeze %dma_start3A_140 : memref<1x1x16x256xf32, #tpu.memory_space<hbm>> -> memref<16x256xf32, #tpu.memory_space<hbm>>
    %dma_start3A_142 = arith.constant 0 : i32
    %dma_start3A_143 = arith.constant 0 : i32
    %dma_start3A_144 = tpu.memref_slice %arg7[%dma_start3A_142, %dma_start3A_143] : memref<32x256xf32, #tpu.memory_space<vmem>> -> memref<16x256xf32, #tpu.memory_space<vmem>>
    tpu.enqueue_dma source(%dma_start3A_144 : memref<16x256xf32, #tpu.memory_space<vmem>>) target(%dma_start3A_141 : memref<16x256xf32, #tpu.memory_space<hbm>>) target_semaphore(%arg9 : memref<!tpu.dma_semaphore, #tpu.memory_space<semaphore_mem>>)
    %dma_start3A_145 = arith.constant 2 : i32
    %dma_start3A_146 = arith.constant 0 : i32
    %dma_start3A_147 = arith.constant 0 : i32
    %dma_start3A_148 = tpu.memref_slice %arg7[%dma_start3A_146, %dma_start3A_147] : memref<32x256xf32, #tpu.memory_space<vmem>> -> memref<16x256xf32, #tpu.memory_space<vmem>>
    %dma_start3A_149 = arith.constant 0 : i32
    %dma_start3A_150 = arith.constant 0 : i32
    %dma_start3A_151 = tpu.memref_slice %arg4[%dma_start3A_145, %add3A, %dma_start3A_149, %dma_start3A_150] : memref<8x32x32x256xf32, #tpu.memory_space<hbm>> -> memref<1x1x16x256xf32, #tpu.memory_space<hbm>>
    %dma_start3A_152 = tpu.memref_squeeze %dma_start3A_151 : memref<1x1x16x256xf32, #tpu.memory_space<hbm>> -> memref<16x256xf32, #tpu.memory_space<hbm>>
    %dma_start3A_153 = arith.constant 0 : i32
    %dma_start3A_154 = arith.constant 0 : i32
    %dma_start3A_155 = tpu.memref_slice %arg4[%dma_start3A_145, %add3A, %dma_start3A_153, %dma_start3A_154] : memref<8x32x32x256xf32, #tpu.memory_space<hbm>> -> memref<1x1x16x256xf32, #tpu.memory_space<hbm>>
    %dma_start3A_156 = tpu.memref_squeeze %dma_start3A_155 : memref<1x1x16x256xf32, #tpu.memory_space<hbm>> -> memref<16x256xf32, #tpu.memory_space<hbm>>
    %dma_start3A_157 = arith.constant 0 : i32
    %dma_start3A_158 = arith.constant 0 : i32
    %dma_start3A_159 = tpu.memref_slice %arg7[%dma_start3A_157, %dma_start3A_158] : memref<32x256xf32, #tpu.memory_space<vmem>> -> memref<16x256xf32, #tpu.memory_space<vmem>>
    tpu.enqueue_dma source(%dma_start3A_159 : memref<16x256xf32, #tpu.memory_space<vmem>>) target(%dma_start3A_156 : memref<16x256xf32, #tpu.memory_space<hbm>>) target_semaphore(%arg9 : memref<!tpu.dma_semaphore, #tpu.memory_space<semaphore_mem>>)
    %dma_start3A_160 = arith.constant 3 : i32
    %dma_start3A_161 = arith.constant 0 : i32
    %dma_start3A_162 = arith.constant 0 : i32
    %dma_start3A_163 = tpu.memref_slice %arg7[%dma_start3A_161, %dma_start3A_162] : memref<32x256xf32, #tpu.memory_space<vmem>> -> memref<16x256xf32, #tpu.memory_space<vmem>>
    %dma_start3A_164 = arith.constant 0 : i32
    %dma_start3A_165 = arith.constant 0 : i32
    %dma_start3A_166 = tpu.memref_slice %arg4[%dma_start3A_160, %add3A, %dma_start3A_164, %dma_start3A_165] : memref<8x32x32x256xf32, #tpu.memory_space<hbm>> -> memref<1x1x16x256xf32, #tpu.memory_space<hbm>>
    %dma_start3A_167 = tpu.memref_squeeze %dma_start3A_166 : memref<1x1x16x256xf32, #tpu.memory_space<hbm>> -> memref<16x256xf32, #tpu.memory_space<hbm>>
    %dma_start3A_168 = arith.constant 0 : i32
    %dma_start3A_169 = arith.constant 0 : i32
    %dma_start3A_170 = tpu.memref_slice %arg4[%dma_start3A_160, %add3A, %dma_start3A_168, %dma_start3A_169] : memref<8x32x32x256xf32, #tpu.memory_space<hbm>> -> memref<1x1x16x256xf32, #tpu.memory_space<hbm>>
    %dma_start3A_171 = tpu.memref_squeeze %dma_start3A_170 : memref<1x1x16x256xf32, #tpu.memory_space<hbm>> -> memref<16x256xf32, #tpu.memory_space<hbm>>
    %dma_start3A_172 = arith.constant 0 : i32
    %dma_start3A_173 = arith.constant 0 : i32
    %dma_start3A_174 = tpu.memref_slice %arg7[%dma_start3A_172, %dma_start3A_173] : memref<32x256xf32, #tpu.memory_space<vmem>> -> memref<16x256xf32, #tpu.memory_space<vmem>>
    tpu.enqueue_dma source(%dma_start3A_174 : memref<16x256xf32, #tpu.memory_space<vmem>>) target(%dma_start3A_171 : memref<16x256xf32, #tpu.memory_space<hbm>>) target_semaphore(%arg9 : memref<!tpu.dma_semaphore, #tpu.memory_space<semaphore_mem>>)
    %dma_start3A_175 = arith.constant 4 : i32
    %dma_start3A_176 = arith.constant 0 : i32
    %dma_start3A_177 = arith.constant 0 : i32
    %dma_start3A_178 = tpu.memref_slice %arg7[%dma_start3A_176, %dma_start3A_177] : memref<32x256xf32, #tpu.memory_space<vmem>> -> memref<16x256xf32, #tpu.memory_space<vmem>>
    %dma_start3A_179 = arith.constant 0 : i32
    %dma_start3A_180 = arith.constant 0 : i32
    %dma_start3A_181 = tpu.memref_slice %arg4[%dma_start3A_175, %add3A, %dma_start3A_179, %dma_start3A_180] : memref<8x32x32x256xf32, #tpu.memory_space<hbm>> -> memref<1x1x16x256xf32, #tpu.memory_space<hbm>>
    %dma_start3A_182 = tpu.memref_squeeze %dma_start3A_181 : memref<1x1x16x256xf32, #tpu.memory_space<hbm>> -> memref<16x256xf32, #tpu.memory_space<hbm>>
    %dma_start3A_183 = arith.constant 0 : i32
    %dma_start3A_184 = arith.constant 0 : i32
    %dma_start3A_185 = tpu.memref_slice %arg4[%dma_start3A_175, %add3A, %dma_start3A_183, %dma_start3A_184] : memref<8x32x32x256xf32, #tpu.memory_space<hbm>> -> memref<1x1x16x256xf32, #tpu.memory_space<hbm>>
    %dma_start3A_186 = tpu.memref_squeeze %dma_start3A_185 : memref<1x1x16x256xf32, #tpu.memory_space<hbm>> -> memref<16x256xf32, #tpu.memory_space<hbm>>
    %dma_start3A_187 = arith.constant 0 : i32
    %dma_start3A_188 = arith.constant 0 : i32
    %dma_start3A_189 = tpu.memref_slice %arg7[%dma_start3A_187, %dma_start3A_188] : memref<32x256xf32, #tpu.memory_space<vmem>> -> memref<16x256xf32, #tpu.memory_space<vmem>>
    tpu.enqueue_dma source(%dma_start3A_189 : memref<16x256xf32, #tpu.memory_space<vmem>>) target(%dma_start3A_186 : memref<16x256xf32, #tpu.memory_space<hbm>>) target_semaphore(%arg9 : memref<!tpu.dma_semaphore, #tpu.memory_space<semaphore_mem>>)
    %dma_start3A_190 = arith.constant 5 : i32
    %dma_start3A_191 = arith.constant 0 : i32
    %dma_start3A_192 = arith.constant 0 : i32
    %dma_start3A_193 = tpu.memref_slice %arg7[%dma_start3A_191, %dma_start3A_192] : memref<32x256xf32, #tpu.memory_space<vmem>> -> memref<16x256xf32, #tpu.memory_space<vmem>>
    %dma_start3A_194 = arith.constant 0 : i32
    %dma_start3A_195 = arith.constant 0 : i32
    %dma_start3A_196 = tpu.memref_slice %arg4[%dma_start3A_190, %add3A, %dma_start3A_194, %dma_start3A_195] : memref<8x32x32x256xf32, #tpu.memory_space<hbm>> -> memref<1x1x16x256xf32, #tpu.memory_space<hbm>>
    %dma_start3A_197 = tpu.memref_squeeze %dma_start3A_196 : memref<1x1x16x256xf32, #tpu.memory_space<hbm>> -> memref<16x256xf32, #tpu.memory_space<hbm>>
    %dma_start3A_198 = arith.constant 0 : i32
    %dma_start3A_199 = arith.constant 0 : i32
    %dma_start3A_200 = tpu.memref_slice %arg4[%dma_start3A_190, %add3A, %dma_start3A_198, %dma_start3A_199] : memref<8x32x32x256xf32, #tpu.memory_space<hbm>> -> memref<1x1x16x256xf32, #tpu.memory_space<hbm>>
    %dma_start3A_201 = tpu.memref_squeeze %dma_start3A_200 : memref<1x1x16x256xf32, #tpu.memory_space<hbm>> -> memref<16x256xf32, #tpu.memory_space<hbm>>
    %dma_start3A_202 = arith.constant 0 : i32
    %dma_start3A_203 = arith.constant 0 : i32
    %dma_start3A_204 = tpu.memref_slice %arg7[%dma_start3A_202, %dma_start3A_203] : memref<32x256xf32, #tpu.memory_space<vmem>> -> memref<16x256xf32, #tpu.memory_space<vmem>>
    tpu.enqueue_dma source(%dma_start3A_204 : memref<16x256xf32, #tpu.memory_space<vmem>>) target(%dma_start3A_201 : memref<16x256xf32, #tpu.memory_space<hbm>>) target_semaphore(%arg9 : memref<!tpu.dma_semaphore, #tpu.memory_space<semaphore_mem>>)
    %dma_start3A_205 = arith.constant 6 : i32
    %dma_start3A_206 = arith.constant 0 : i32
    %dma_start3A_207 = arith.constant 0 : i32
    %dma_start3A_208 = tpu.memref_slice %arg7[%dma_start3A_206, %dma_start3A_207] : memref<32x256xf32, #tpu.memory_space<vmem>> -> memref<16x256xf32, #tpu.memory_space<vmem>>
    %dma_start3A_209 = arith.constant 0 : i32
    %dma_start3A_210 = arith.constant 0 : i32
    %dma_start3A_211 = tpu.memref_slice %arg4[%dma_start3A_205, %add3A, %dma_start3A_209, %dma_start3A_210] : memref<8x32x32x256xf32, #tpu.memory_space<hbm>> -> memref<1x1x16x256xf32, #tpu.memory_space<hbm>>
    %dma_start3A_212 = tpu.memref_squeeze %dma_start3A_211 : memref<1x1x16x256xf32, #tpu.memory_space<hbm>> -> memref<16x256xf32, #tpu.memory_space<hbm>>
    %dma_start3A_213 = arith.constant 0 : i32
    %dma_start3A_214 = arith.constant 0 : i32
    %dma_start3A_215 = tpu.memref_slice %arg4[%dma_start3A_205, %add3A, %dma_start3A_213, %dma_start3A_214] : memref<8x32x32x256xf32, #tpu.memory_space<hbm>> -> memref<1x1x16x256xf32, #tpu.memory_space<hbm>>
    %dma_start3A_216 = tpu.memref_squeeze %dma_start3A_215 : memref<1x1x16x256xf32, #tpu.memory_space<hbm>> -> memref<16x256xf32, #tpu.memory_space<hbm>>
    %dma_start3A_217 = arith.constant 0 : i32
    %dma_start3A_218 = arith.constant 0 : i32
    %dma_start3A_219 = tpu.memref_slice %arg7[%dma_start3A_217, %dma_start3A_218] : memref<32x256xf32, #tpu.memory_space<vmem>> -> memref<16x256xf32, #tpu.memory_space<vmem>>
    tpu.enqueue_dma source(%dma_start3A_219 : memref<16x256xf32, #tpu.memory_space<vmem>>) target(%dma_start3A_216 : memref<16x256xf32, #tpu.memory_space<hbm>>) target_semaphore(%arg9 : memref<!tpu.dma_semaphore, #tpu.memory_space<semaphore_mem>>)
    %dma_start3A_220 = arith.constant 7 : i32
    %dma_start3A_221 = arith.constant 0 : i32
    %dma_start3A_222 = arith.constant 0 : i32
    %dma_start3A_223 = tpu.memref_slice %arg7[%dma_start3A_221, %dma_start3A_222] : memref<32x256xf32, #tpu.memory_space<vmem>> -> memref<16x256xf32, #tpu.memory_space<vmem>>
    %dma_start3A_224 = arith.constant 0 : i32
    %dma_start3A_225 = arith.constant 0 : i32
    %dma_start3A_226 = tpu.memref_slice %arg4[%dma_start3A_220, %add3A, %dma_start3A_224, %dma_start3A_225] : memref<8x32x32x256xf32, #tpu.memory_space<hbm>> -> memref<1x1x16x256xf32, #tpu.memory_space<hbm>>
    %dma_start3A_227 = tpu.memref_squeeze %dma_start3A_226 : memref<1x1x16x256xf32, #tpu.memory_space<hbm>> -> memref<16x256xf32, #tpu.memory_space<hbm>>
    %dma_start3A_228 = arith.constant 0 : i32
    %dma_start3A_229 = arith.constant 0 : i32
    %dma_start3A_230 = tpu.memref_slice %arg4[%dma_start3A_220, %add3A, %dma_start3A_228, %dma_start3A_229] : memref<8x32x32x256xf32, #tpu.memory_space<hbm>> -> memref<1x1x16x256xf32, #tpu.memory_space<hbm>>
    %dma_start3A_231 = tpu.memref_squeeze %dma_start3A_230 : memref<1x1x16x256xf32, #tpu.memory_space<hbm>> -> memref<16x256xf32, #tpu.memory_space<hbm>>
    %dma_start3A_232 = arith.constant 0 : i32
    %dma_start3A_233 = arith.constant 0 : i32
    %dma_start3A_234 = tpu.memref_slice %arg7[%dma_start3A_232, %dma_start3A_233] : memref<32x256xf32, #tpu.memory_space<vmem>> -> memref<16x256xf32, #tpu.memory_space<vmem>>
    tpu.enqueue_dma source(%dma_start3A_234 : memref<16x256xf32, #tpu.memory_space<vmem>>) target(%dma_start3A_231 : memref<16x256xf32, #tpu.memory_space<hbm>>) target_semaphore(%arg9 : memref<!tpu.dma_semaphore, #tpu.memory_space<semaphore_mem>>)
    %dma_wait3A_235 = arith.constant 16 : i32
    %dma_wait3A_236 = arith.constant 0 : i32
    %dma_wait3A_237 = tpu.memref_slice %arg6[%dma_wait3A_235, %dma_wait3A_236] : memref<32x256xf32, #tpu.memory_space<vmem>> -> memref<16x256xf32, #tpu.memory_space<vmem>>
    %dma_wait3A_238 = arith.constant 16 : i32
    %dma_wait3A_239 = arith.constant 0 : i32
    %dma_wait3A_240 = tpu.memref_slice %arg3[%dma_wait3A_238, %dma_wait3A_239] : memref<64x256xf32, #tpu.memory_space<hbm>> -> memref<16x256xf32, #tpu.memory_space<hbm>>
    %dma_wait3A_241 = arith.constant 16 : i32
    %dma_wait3A_242 = arith.constant 0 : i32
    %dma_wait3A_243 = tpu.memref_slice %arg6[%dma_wait3A_241, %dma_wait3A_242] : memref<32x256xf32, #tpu.memory_space<vmem>> -> memref<16x256xf32, #tpu.memory_space<vmem>>
    %dma_wait3A_244 = arith.constant 16 : i32
    %dma_wait3A_245 = arith.constant 0 : i32
    %dma_wait3A_246 = tpu.memref_slice %arg3[%dma_wait3A_244, %dma_wait3A_245] : memref<64x256xf32, #tpu.memory_space<hbm>> -> memref<16x256xf32, #tpu.memory_space<hbm>>
    tpu.wait_dma2 semaphore(%arg8 : memref<!tpu.dma_semaphore, #tpu.memory_space<semaphore_mem>>) src(%dma_wait3A_246 : memref<16x256xf32, #tpu.memory_space<hbm>>) dst(%dma_wait3A_243 : memref<16x256xf32, #tpu.memory_space<vmem>>)
    %scan3A_247 = arith.constant 0 : i32
    %scan3A_248 = arith.constant 16 : i32
    %scan3A_249 = arith.constant 16 : i32
    %scan3A_250 = arith.addi %scan3A_248, %scan3A_249 : i32
    %scan3A_251 = arith.constant 1 : i32
    %scan3A_252 = scf.for %scan3A_614 = %scan3A_248 to %scan3A_250 step %scan3A_251 iter_args(%scan3A_615 = %scan3A_247) -> (i32)  : i32 {
      %get3A_616 = arith.index_cast %scan3A_614 : i32 to index
      %get3A_617 = arith.constant 0 : index
      %get3A_618 = tpu.vector_load %arg6[%get3A_616, %get3A_617] {strides = array<i32>} : memref<32x256xf32, #tpu.memory_space<vmem>>, vector<16xf32>,
      %add3A_619 = arith.addf %get3A_618, %get3A_51 : vector<16xf32>
      %swap3A = arith.index_cast %scan3A_614 : i32 to index
      %swap3A_620 = arith.constant 0 : index
      %swap3A_621 = tpu.vector_load %arg7[%swap3A, %swap3A_620] {strides = array<i32>} : memref<32x256xf32, #tpu.memory_space<vmem>>, vector<16xf32>,
      tpu.vector_store %arg7[%swap3A, %swap3A_620], %add3A_619 {strides = array<i32>} : memref<32x256xf32, #tpu.memory_space<vmem>>, vector<16xf32>,
      %get3A_622 = arith.index_cast %scan3A_614 : i32 to index
      %get3A_623 = arith.constant 16 : index
      %get3A_624 = tpu.vector_load %arg6[%get3A_622, %get3A_623] {strides = array<i32>} : memref<32x256xf32, #tpu.memory_space<vmem>>, vector<16xf32>,
      %add3A_625 = arith.addf %get3A_624, %get3A_54 : vector<16xf32>
      %swap3A_626 = arith.index_cast %scan3A_614 : i32 to index
      %swap3A_627 = arith.constant 16 : index
      %swap3A_628 = tpu.vector_load %arg7[%swap3A_626, %swap3A_627] {strides = array<i32>} : memref<32x256xf32, #tpu.memory_space<vmem>>, vector<16xf32>,
      tpu.vector_store %arg7[%swap3A_626, %swap3A_627], %add3A_625 {strides = array<i32>} : memref<32x256xf32, #tpu.memory_space<vmem>>, vector<16xf32>,
      %get3A_629 = arith.index_cast %scan3A_614 : i32 to index
      %get3A_630 = arith.constant 32 : index
      %get3A_631 = tpu.vector_load %arg6[%get3A_629, %get3A_630] {strides = array<i32>} : memref<32x256xf32, #tpu.memory_space<vmem>>, vector<16xf32>,
      %add3A_632 = arith.addf %get3A_631, %get3A_57 : vector<16xf32>
      %swap3A_633 = arith.index_cast %scan3A_614 : i32 to index
      %swap3A_634 = arith.constant 32 : index
      %swap3A_635 = tpu.vector_load %arg7[%swap3A_633, %swap3A_634] {strides = array<i32>} : memref<32x256xf32, #tpu.memory_space<vmem>>, vector<16xf32>,
      tpu.vector_store %arg7[%swap3A_633, %swap3A_634], %add3A_632 {strides = array<i32>} : memref<32x256xf32, #tpu.memory_space<vmem>>, vector<16xf32>,
      %get3A_636 = arith.index_cast %scan3A_614 : i32 to index
      %get3A_637 = arith.constant 48 : index
      %get3A_638 = tpu.vector_load %arg6[%get3A_636, %get3A_637] {strides = array<i32>} : memref<32x256xf32, #tpu.memory_space<vmem>>, vector<16xf32>,
      %add3A_639 = arith.addf %get3A_638, %get3A_60 : vector<16xf32>
      %swap3A_640 = arith.index_cast %scan3A_614 : i32 to index
      %swap3A_641 = arith.constant 48 : index
      %swap3A_642 = tpu.vector_load %arg7[%swap3A_640, %swap3A_641] {strides = array<i32>} : memref<32x256xf32, #tpu.memory_space<vmem>>, vector<16xf32>,
      tpu.vector_store %arg7[%swap3A_640, %swap3A_641], %add3A_639 {strides = array<i32>} : memref<32x256xf32, #tpu.memory_space<vmem>>, vector<16xf32>,
      %get3A_643 = arith.index_cast %scan3A_614 : i32 to index
      %get3A_644 = arith.constant 64 : index
      %get3A_645 = tpu.vector_load %arg6[%get3A_643, %get3A_644] {strides = array<i32>} : memref<32x256xf32, #tpu.memory_space<vmem>>, vector<16xf32>,
      %add3A_646 = arith.addf %get3A_645, %get3A_63 : vector<16xf32>
      %swap3A_647 = arith.index_cast %scan3A_614 : i32 to index
      %swap3A_648 = arith.constant 64 : index
      %swap3A_649 = tpu.vector_load %arg7[%swap3A_647, %swap3A_648] {strides = array<i32>} : memref<32x256xf32, #tpu.memory_space<vmem>>, vector<16xf32>,
      tpu.vector_store %arg7[%swap3A_647, %swap3A_648], %add3A_646 {strides = array<i32>} : memref<32x256xf32, #tpu.memory_space<vmem>>, vector<16xf32>,
      %get3A_650 = arith.index_cast %scan3A_614 : i32 to index
      %get3A_651 = arith.constant 80 : index
      %get3A_652 = tpu.vector_load %arg6[%get3A_650, %get3A_651] {strides = array<i32>} : memref<32x256xf32, #tpu.memory_space<vmem>>, vector<16xf32>,
      %add3A_653 = arith.addf %get3A_652, %get3A_66 : vector<16xf32>
      %swap3A_654 = arith.index_cast %scan3A_614 : i32 to index
      %swap3A_655 = arith.constant 80 : index
      %swap3A_656 = tpu.vector_load %arg7[%swap3A_654, %swap3A_655] {strides = array<i32>} : memref<32x256xf32, #tpu.memory_space<vmem>>, vector<16xf32>,
      tpu.vector_store %arg7[%swap3A_654, %swap3A_655], %add3A_653 {strides = array<i32>} : memref<32x256xf32, #tpu.memory_space<vmem>>, vector<16xf32>,
      %get3A_657 = arith.index_cast %scan3A_614 : i32 to index
      %get3A_658 = arith.constant 96 : index
      %get3A_659 = tpu.vector_load %arg6[%get3A_657, %get3A_658] {strides = array<i32>} : memref<32x256xf32, #tpu.memory_space<vmem>>, vector<16xf32>,
      %add3A_660 = arith.addf %get3A_659, %get3A_69 : vector<16xf32>
      %swap3A_661 = arith.index_cast %scan3A_614 : i32 to index
      %swap3A_662 = arith.constant 96 : index
      %swap3A_663 = tpu.vector_load %arg7[%swap3A_661, %swap3A_662] {strides = array<i32>} : memref<32x256xf32, #tpu.memory_space<vmem>>, vector<16xf32>,
      tpu.vector_store %arg7[%swap3A_661, %swap3A_662], %add3A_660 {strides = array<i32>} : memref<32x256xf32, #tpu.memory_space<vmem>>, vector<16xf32>,
      %get3A_664 = arith.index_cast %scan3A_614 : i32 to index
      %get3A_665 = arith.constant 112 : index
      %get3A_666 = tpu.vector_load %arg6[%get3A_664, %get3A_665] {strides = array<i32>} : memref<32x256xf32, #tpu.memory_space<vmem>>, vector<16xf32>,
      %add3A_667 = arith.addf %get3A_666, %get3A_72 : vector<16xf32>
      %swap3A_668 = arith.index_cast %scan3A_614 : i32 to index
      %swap3A_669 = arith.constant 112 : index
      %swap3A_670 = tpu.vector_load %arg7[%swap3A_668, %swap3A_669] {strides = array<i32>} : memref<32x256xf32, #tpu.memory_space<vmem>>, vector<16xf32>,
      tpu.vector_store %arg7[%swap3A_668, %swap3A_669], %add3A_667 {strides = array<i32>} : memref<32x256xf32, #tpu.memory_space<vmem>>, vector<16xf32>,
      %get3A_671 = arith.index_cast %scan3A_614 : i32 to index
      %get3A_672 = arith.constant 128 : index
      %get3A_673 = tpu.vector_load %arg6[%get3A_671, %get3A_672] {strides = array<i32>} : memref<32x256xf32, #tpu.memory_space<vmem>>, vector<16xf32>,
      %add3A_674 = arith.addf %get3A_673, %get3A_75 : vector<16xf32>
      %swap3A_675 = arith.index_cast %scan3A_614 : i32 to index
      %swap3A_676 = arith.constant 128 : index
      %swap3A_677 = tpu.vector_load %arg7[%swap3A_675, %swap3A_676] {strides = array<i32>} : memref<32x256xf32, #tpu.memory_space<vmem>>, vector<16xf32>,
      tpu.vector_store %arg7[%swap3A_675, %swap3A_676], %add3A_674 {strides = array<i32>} : memref<32x256xf32, #tpu.memory_space<vmem>>, vector<16xf32>,
      %get3A_678 = arith.index_cast %scan3A_614 : i32 to index
      %get3A_679 = arith.constant 144 : index
      %get3A_680 = tpu.vector_load %arg6[%get3A_678, %get3A_679] {strides = array<i32>} : memref<32x256xf32, #tpu.memory_space<vmem>>, vector<16xf32>,
      %add3A_681 = arith.addf %get3A_680, %get3A_78 : vector<16xf32>
      %swap3A_682 = arith.index_cast %scan3A_614 : i32 to index
      %swap3A_683 = arith.constant 144 : index
      %swap3A_684 = tpu.vector_load %arg7[%swap3A_682, %swap3A_683] {strides = array<i32>} : memref<32x256xf32, #tpu.memory_space<vmem>>, vector<16xf32>,
      tpu.vector_store %arg7[%swap3A_682, %swap3A_683], %add3A_681 {strides = array<i32>} : memref<32x256xf32, #tpu.memory_space<vmem>>, vector<16xf32>,
      %get3A_685 = arith.index_cast %scan3A_614 : i32 to index
      %get3A_686 = arith.constant 160 : index
      %get3A_687 = tpu.vector_load %arg6[%get3A_685, %get3A_686] {strides = array<i32>} : memref<32x256xf32, #tpu.memory_space<vmem>>, vector<16xf32>,
      %add3A_688 = arith.addf %get3A_687, %get3A_81 : vector<16xf32>
      %swap3A_689 = arith.index_cast %scan3A_614 : i32 to index
      %swap3A_690 = arith.constant 160 : index
      %swap3A_691 = tpu.vector_load %arg7[%swap3A_689, %swap3A_690] {strides = array<i32>} : memref<32x256xf32, #tpu.memory_space<vmem>>, vector<16xf32>,
      tpu.vector_store %arg7[%swap3A_689, %swap3A_690], %add3A_688 {strides = array<i32>} : memref<32x256xf32, #tpu.memory_space<vmem>>, vector<16xf32>,
      %get3A_692 = arith.index_cast %scan3A_614 : i32 to index
      %get3A_693 = arith.constant 176 : index
      %get3A_694 = tpu.vector_load %arg6[%get3A_692, %get3A_693] {strides = array<i32>} : memref<32x256xf32, #tpu.memory_space<vmem>>, vector<16xf32>,
      %add3A_695 = arith.addf %get3A_694, %get3A_84 : vector<16xf32>
      %swap3A_696 = arith.index_cast %scan3A_614 : i32 to index
      %swap3A_697 = arith.constant 176 : index
      %swap3A_698 = tpu.vector_load %arg7[%swap3A_696, %swap3A_697] {strides = array<i32>} : memref<32x256xf32, #tpu.memory_space<vmem>>, vector<16xf32>,
      tpu.vector_store %arg7[%swap3A_696, %swap3A_697], %add3A_695 {strides = array<i32>} : memref<32x256xf32, #tpu.memory_space<vmem>>, vector<16xf32>,
      %get3A_699 = arith.index_cast %scan3A_614 : i32 to index
      %get3A_700 = arith.constant 192 : index
      %get3A_701 = tpu.vector_load %arg6[%get3A_699, %get3A_700] {strides = array<i32>} : memref<32x256xf32, #tpu.memory_space<vmem>>, vector<16xf32>,
      %add3A_702 = arith.addf %get3A_701, %get3A_87 : vector<16xf32>
      %swap3A_703 = arith.index_cast %scan3A_614 : i32 to index
      %swap3A_704 = arith.constant 192 : index
      %swap3A_705 = tpu.vector_load %arg7[%swap3A_703, %swap3A_704] {strides = array<i32>} : memref<32x256xf32, #tpu.memory_space<vmem>>, vector<16xf32>,
      tpu.vector_store %arg7[%swap3A_703, %swap3A_704], %add3A_702 {strides = array<i32>} : memref<32x256xf32, #tpu.memory_space<vmem>>, vector<16xf32>,
      %get3A_706 = arith.index_cast %scan3A_614 : i32 to index
      %get3A_707 = arith.constant 208 : index
      %get3A_708 = tpu.vector_load %arg6[%get3A_706, %get3A_707] {strides = array<i32>} : memref<32x256xf32, #tpu.memory_space<vmem>>, vector<16xf32>,
      %add3A_709 = arith.addf %get3A_708, %get3A_90 : vector<16xf32>
      %swap3A_710 = arith.index_cast %scan3A_614 : i32 to index
      %swap3A_711 = arith.constant 208 : index
      %swap3A_712 = tpu.vector_load %arg7[%swap3A_710, %swap3A_711] {strides = array<i32>} : memref<32x256xf32, #tpu.memory_space<vmem>>, vector<16xf32>,
      tpu.vector_store %arg7[%swap3A_710, %swap3A_711], %add3A_709 {strides = array<i32>} : memref<32x256xf32, #tpu.memory_space<vmem>>, vector<16xf32>,
      %get3A_713 = arith.index_cast %scan3A_614 : i32 to index
      %get3A_714 = arith.constant 224 : index
      %get3A_715 = tpu.vector_load %arg6[%get3A_713, %get3A_714] {strides = array<i32>} : memref<32x256xf32, #tpu.memory_space<vmem>>, vector<16xf32>,
      %add3A_716 = arith.addf %get3A_715, %get3A_93 : vector<16xf32>
      %swap3A_717 = arith.index_cast %scan3A_614 : i32 to index
      %swap3A_718 = arith.constant 224 : index
      %swap3A_719 = tpu.vector_load %arg7[%swap3A_717, %swap3A_718] {strides = array<i32>} : memref<32x256xf32, #tpu.memory_space<vmem>>, vector<16xf32>,
      tpu.vector_store %arg7[%swap3A_717, %swap3A_718], %add3A_716 {strides = array<i32>} : memref<32x256xf32, #tpu.memory_space<vmem>>, vector<16xf32>,
      %get3A_720 = arith.index_cast %scan3A_614 : i32 to index
      %get3A_721 = arith.constant 240 : index
      %get3A_722 = tpu.vector_load %arg6[%get3A_720, %get3A_721] {strides = array<i32>} : memref<32x256xf32, #tpu.memory_space<vmem>>, vector<16xf32>,
      %add3A_723 = arith.addf %get3A_722, %get3A_96 : vector<16xf32>
      %swap3A_724 = arith.index_cast %scan3A_614 : i32 to index
      %swap3A_725 = arith.constant 240 : index
      %swap3A_726 = tpu.vector_load %arg7[%swap3A_724, %swap3A_725] {strides = array<i32>} : memref<32x256xf32, #tpu.memory_space<vmem>>, vector<16xf32>,
      tpu.vector_store %arg7[%swap3A_724, %swap3A_725], %add3A_723 {strides = array<i32>} : memref<32x256xf32, #tpu.memory_space<vmem>>, vector<16xf32>,
      %scan3A_727 = arith.constant 0 : i32
      scf.yield %scan3A_727 : i32
    }
    %scan3A_253 = arith.constant 16 : i32
    %dma_start3A_254 = arith.constant 0 : i32
    %dma_start3A_255 = arith.constant 16 : i32
    %dma_start3A_256 = arith.constant 0 : i32
    %dma_start3A_257 = tpu.memref_slice %arg7[%dma_start3A_255, %dma_start3A_256] : memref<32x256xf32, #tpu.memory_space<vmem>> -> memref<16x256xf32, #tpu.memory_space<vmem>>
    %dma_start3A_258 = arith.constant 16 : i32
    %dma_start3A_259 = arith.constant 0 : i32
    %dma_start3A_260 = tpu.memref_slice %arg4[%dma_start3A_254, %add3A, %dma_start3A_258, %dma_start3A_259] : memref<8x32x32x256xf32, #tpu.memory_space<hbm>> -> memref<1x1x16x256xf32, #tpu.memory_space<hbm>>
    %dma_start3A_261 = tpu.memref_squeeze %dma_start3A_260 : memref<1x1x16x256xf32, #tpu.memory_space<hbm>> -> memref<16x256xf32, #tpu.memory_space<hbm>>
    %dma_start3A_262 = arith.constant 16 : i32
    %dma_start3A_263 = arith.constant 0 : i32
    %dma_start3A_264 = tpu.memref_slice %arg4[%dma_start3A_254, %add3A, %dma_start3A_262, %dma_start3A_263] : memref<8x32x32x256xf32, #tpu.memory_space<hbm>> -> memref<1x1x16x256xf32, #tpu.memory_space<hbm>>
    %dma_start3A_265 = tpu.memref_squeeze %dma_start3A_264 : memref<1x1x16x256xf32, #tpu.memory_space<hbm>> -> memref<16x256xf32, #tpu.memory_space<hbm>>
    %dma_start3A_266 = arith.constant 16 : i32
    %dma_start3A_267 = arith.constant 0 : i32
    %dma_start3A_268 = tpu.memref_slice %arg7[%dma_start3A_266, %dma_start3A_267] : memref<32x256xf32, #tpu.memory_space<vmem>> -> memref<16x256xf32, #tpu.memory_space<vmem>>
    tpu.enqueue_dma source(%dma_start3A_268 : memref<16x256xf32, #tpu.memory_space<vmem>>) target(%dma_start3A_265 : memref<16x256xf32, #tpu.memory_space<hbm>>) target_semaphore(%arg9 : memref<!tpu.dma_semaphore, #tpu.memory_space<semaphore_mem>>)
    %dma_start3A_269 = arith.constant 1 : i32
    %dma_start3A_270 = arith.constant 16 : i32
    %dma_start3A_271 = arith.constant 0 : i32
    %dma_start3A_272 = tpu.memref_slice %arg7[%dma_start3A_270, %dma_start3A_271] : memref<32x256xf32, #tpu.memory_space<vmem>> -> memref<16x256xf32, #tpu.memory_space<vmem>>
    %dma_start3A_273 = arith.constant 16 : i32
    %dma_start3A_274 = arith.constant 0 : i32
    %dma_start3A_275 = tpu.memref_slice %arg4[%dma_start3A_269, %add3A, %dma_start3A_273, %dma_start3A_274] : memref<8x32x32x256xf32, #tpu.memory_space<hbm>> -> memref<1x1x16x256xf32, #tpu.memory_space<hbm>>
    %dma_start3A_276 = tpu.memref_squeeze %dma_start3A_275 : memref<1x1x16x256xf32, #tpu.memory_space<hbm>> -> memref<16x256xf32, #tpu.memory_space<hbm>>
    %dma_start3A_277 = arith.constant 16 : i32
    %dma_start3A_278 = arith.constant 0 : i32
    %dma_start3A_279 = tpu.memref_slice %arg4[%dma_start3A_269, %add3A, %dma_start3A_277, %dma_start3A_278] : memref<8x32x32x256xf32, #tpu.memory_space<hbm>> -> memref<1x1x16x256xf32, #tpu.memory_space<hbm>>
    %dma_start3A_280 = tpu.memref_squeeze %dma_start3A_279 : memref<1x1x16x256xf32, #tpu.memory_space<hbm>> -> memref<16x256xf32, #tpu.memory_space<hbm>>
    %dma_start3A_281 = arith.constant 16 : i32
    %dma_start3A_282 = arith.constant 0 : i32
    %dma_start3A_283 = tpu.memref_slice %arg7[%dma_start3A_281, %dma_start3A_282] : memref<32x256xf32, #tpu.memory_space<vmem>> -> memref<16x256xf32, #tpu.memory_space<vmem>>
    tpu.enqueue_dma source(%dma_start3A_283 : memref<16x256xf32, #tpu.memory_space<vmem>>) target(%dma_start3A_280 : memref<16x256xf32, #tpu.memory_space<hbm>>) target_semaphore(%arg9 : memref<!tpu.dma_semaphore, #tpu.memory_space<semaphore_mem>>)
    %dma_start3A_284 = arith.constant 2 : i32
    %dma_start3A_285 = arith.constant 16 : i32
    %dma_start3A_286 = arith.constant 0 : i32
    %dma_start3A_287 = tpu.memref_slice %arg7[%dma_start3A_285, %dma_start3A_286] : memref<32x256xf32, #tpu.memory_space<vmem>> -> memref<16x256xf32, #tpu.memory_space<vmem>>
    %dma_start3A_288 = arith.constant 16 : i32
    %dma_start3A_289 = arith.constant 0 : i32
    %dma_start3A_290 = tpu.memref_slice %arg4[%dma_start3A_284, %add3A, %dma_start3A_288, %dma_start3A_289] : memref<8x32x32x256xf32, #tpu.memory_space<hbm>> -> memref<1x1x16x256xf32, #tpu.memory_space<hbm>>
    %dma_start3A_291 = tpu.memref_squeeze %dma_start3A_290 : memref<1x1x16x256xf32, #tpu.memory_space<hbm>> -> memref<16x256xf32, #tpu.memory_space<hbm>>
    %dma_start3A_292 = arith.constant 16 : i32
    %dma_start3A_293 = arith.constant 0 : i32
    %dma_start3A_294 = tpu.memref_slice %arg4[%dma_start3A_284, %add3A, %dma_start3A_292, %dma_start3A_293] : memref<8x32x32x256xf32, #tpu.memory_space<hbm>> -> memref<1x1x16x256xf32, #tpu.memory_space<hbm>>
    %dma_start3A_295 = tpu.memref_squeeze %dma_start3A_294 : memref<1x1x16x256xf32, #tpu.memory_space<hbm>> -> memref<16x256xf32, #tpu.memory_space<hbm>>
    %dma_start3A_296 = arith.constant 16 : i32
    %dma_start3A_297 = arith.constant 0 : i32
    %dma_start3A_298 = tpu.memref_slice %arg7[%dma_start3A_296, %dma_start3A_297] : memref<32x256xf32, #tpu.memory_space<vmem>> -> memref<16x256xf32, #tpu.memory_space<vmem>>
    tpu.enqueue_dma source(%dma_start3A_298 : memref<16x256xf32, #tpu.memory_space<vmem>>) target(%dma_start3A_295 : memref<16x256xf32, #tpu.memory_space<hbm>>) target_semaphore(%arg9 : memref<!tpu.dma_semaphore, #tpu.memory_space<semaphore_mem>>)
    %dma_start3A_299 = arith.constant 3 : i32
    %dma_start3A_300 = arith.constant 16 : i32
    %dma_start3A_301 = arith.constant 0 : i32
    %dma_start3A_302 = tpu.memref_slice %arg7[%dma_start3A_300, %dma_start3A_301] : memref<32x256xf32, #tpu.memory_space<vmem>> -> memref<16x256xf32, #tpu.memory_space<vmem>>
    %dma_start3A_303 = arith.constant 16 : i32
    %dma_start3A_304 = arith.constant 0 : i32
    %dma_start3A_305 = tpu.memref_slice %arg4[%dma_start3A_299, %add3A, %dma_start3A_303, %dma_start3A_304] : memref<8x32x32x256xf32, #tpu.memory_space<hbm>> -> memref<1x1x16x256xf32, #tpu.memory_space<hbm>>
    %dma_start3A_306 = tpu.memref_squeeze %dma_start3A_305 : memref<1x1x16x256xf32, #tpu.memory_space<hbm>> -> memref<16x256xf32, #tpu.memory_space<hbm>>
    %dma_start3A_307 = arith.constant 16 : i32
    %dma_start3A_308 = arith.constant 0 : i32
    %dma_start3A_309 = tpu.memref_slice %arg4[%dma_start3A_299, %add3A, %dma_start3A_307, %dma_start3A_308] : memref<8x32x32x256xf32, #tpu.memory_space<hbm>> -> memref<1x1x16x256xf32, #tpu.memory_space<hbm>>
    %dma_start3A_310 = tpu.memref_squeeze %dma_start3A_309 : memref<1x1x16x256xf32, #tpu.memory_space<hbm>> -> memref<16x256xf32, #tpu.memory_space<hbm>>
    %dma_start3A_311 = arith.constant 16 : i32
    %dma_start3A_312 = arith.constant 0 : i32
    %dma_start3A_313 = tpu.memref_slice %arg7[%dma_start3A_311, %dma_start3A_312] : memref<32x256xf32, #tpu.memory_space<vmem>> -> memref<16x256xf32, #tpu.memory_space<vmem>>
    tpu.enqueue_dma source(%dma_start3A_313 : memref<16x256xf32, #tpu.memory_space<vmem>>) target(%dma_start3A_310 : memref<16x256xf32, #tpu.memory_space<hbm>>) target_semaphore(%arg9 : memref<!tpu.dma_semaphore, #tpu.memory_space<semaphore_mem>>)
    %dma_start3A_314 = arith.constant 4 : i32
    %dma_start3A_315 = arith.constant 16 : i32
    %dma_start3A_316 = arith.constant 0 : i32
    %dma_start3A_317 = tpu.memref_slice %arg7[%dma_start3A_315, %dma_start3A_316] : memref<32x256xf32, #tpu.memory_space<vmem>> -> memref<16x256xf32, #tpu.memory_space<vmem>>
    %dma_start3A_318 = arith.constant 16 : i32
    %dma_start3A_319 = arith.constant 0 : i32
    %dma_start3A_320 = tpu.memref_slice %arg4[%dma_start3A_314, %add3A, %dma_start3A_318, %dma_start3A_319] : memref<8x32x32x256xf32, #tpu.memory_space<hbm>> -> memref<1x1x16x256xf32, #tpu.memory_space<hbm>>
    %dma_start3A_321 = tpu.memref_squeeze %dma_start3A_320 : memref<1x1x16x256xf32, #tpu.memory_space<hbm>> -> memref<16x256xf32, #tpu.memory_space<hbm>>
    %dma_start3A_322 = arith.constant 16 : i32
    %dma_start3A_323 = arith.constant 0 : i32
    %dma_start3A_324 = tpu.memref_slice %arg4[%dma_start3A_314, %add3A, %dma_start3A_322, %dma_start3A_323] : memref<8x32x32x256xf32, #tpu.memory_space<hbm>> -> memref<1x1x16x256xf32, #tpu.memory_space<hbm>>
    %dma_start3A_325 = tpu.memref_squeeze %dma_start3A_324 : memref<1x1x16x256xf32, #tpu.memory_space<hbm>> -> memref<16x256xf32, #tpu.memory_space<hbm>>
    %dma_start3A_326 = arith.constant 16 : i32
    %dma_start3A_327 = arith.constant 0 : i32
    %dma_start3A_328 = tpu.memref_slice %arg7[%dma_start3A_326, %dma_start3A_327] : memref<32x256xf32, #tpu.memory_space<vmem>> -> memref<16x256xf32, #tpu.memory_space<vmem>>
    tpu.enqueue_dma source(%dma_start3A_328 : memref<16x256xf32, #tpu.memory_space<vmem>>) target(%dma_start3A_325 : memref<16x256xf32, #tpu.memory_space<hbm>>) target_semaphore(%arg9 : memref<!tpu.dma_semaphore, #tpu.memory_space<semaphore_mem>>)
    %dma_start3A_329 = arith.constant 5 : i32
    %dma_start3A_330 = arith.constant 16 : i32
    %dma_start3A_331 = arith.constant 0 : i32
    %dma_start3A_332 = tpu.memref_slice %arg7[%dma_start3A_330, %dma_start3A_331] : memref<32x256xf32, #tpu.memory_space<vmem>> -> memref<16x256xf32, #tpu.memory_space<vmem>>
    %dma_start3A_333 = arith.constant 16 : i32
    %dma_start3A_334 = arith.constant 0 : i32
    %dma_start3A_335 = tpu.memref_slice %arg4[%dma_start3A_329, %add3A, %dma_start3A_333, %dma_start3A_334] : memref<8x32x32x256xf32, #tpu.memory_space<hbm>> -> memref<1x1x16x256xf32, #tpu.memory_space<hbm>>
    %dma_start3A_336 = tpu.memref_squeeze %dma_start3A_335 : memref<1x1x16x256xf32, #tpu.memory_space<hbm>> -> memref<16x256xf32, #tpu.memory_space<hbm>>
    %dma_start3A_337 = arith.constant 16 : i32
    %dma_start3A_338 = arith.constant 0 : i32
    %dma_start3A_339 = tpu.memref_slice %arg4[%dma_start3A_329, %add3A, %dma_start3A_337, %dma_start3A_338] : memref<8x32x32x256xf32, #tpu.memory_space<hbm>> -> memref<1x1x16x256xf32, #tpu.memory_space<hbm>>
    %dma_start3A_340 = tpu.memref_squeeze %dma_start3A_339 : memref<1x1x16x256xf32, #tpu.memory_space<hbm>> -> memref<16x256xf32, #tpu.memory_space<hbm>>
    %dma_start3A_341 = arith.constant 16 : i32
    %dma_start3A_342 = arith.constant 0 : i32
    %dma_start3A_343 = tpu.memref_slice %arg7[%dma_start3A_341, %dma_start3A_342] : memref<32x256xf32, #tpu.memory_space<vmem>> -> memref<16x256xf32, #tpu.memory_space<vmem>>
    tpu.enqueue_dma source(%dma_start3A_343 : memref<16x256xf32, #tpu.memory_space<vmem>>) target(%dma_start3A_340 : memref<16x256xf32, #tpu.memory_space<hbm>>) target_semaphore(%arg9 : memref<!tpu.dma_semaphore, #tpu.memory_space<semaphore_mem>>)
    %dma_start3A_344 = arith.constant 6 : i32
    %dma_start3A_345 = arith.constant 16 : i32
    %dma_start3A_346 = arith.constant 0 : i32
    %dma_start3A_347 = tpu.memref_slice %arg7[%dma_start3A_345, %dma_start3A_346] : memref<32x256xf32, #tpu.memory_space<vmem>> -> memref<16x256xf32, #tpu.memory_space<vmem>>
    %dma_start3A_348 = arith.constant 16 : i32
    %dma_start3A_349 = arith.constant 0 : i32
    %dma_start3A_350 = tpu.memref_slice %arg4[%dma_start3A_344, %add3A, %dma_start3A_348, %dma_start3A_349] : memref<8x32x32x256xf32, #tpu.memory_space<hbm>> -> memref<1x1x16x256xf32, #tpu.memory_space<hbm>>
    %dma_start3A_351 = tpu.memref_squeeze %dma_start3A_350 : memref<1x1x16x256xf32, #tpu.memory_space<hbm>> -> memref<16x256xf32, #tpu.memory_space<hbm>>
    %dma_start3A_352 = arith.constant 16 : i32
    %dma_start3A_353 = arith.constant 0 : i32
    %dma_start3A_354 = tpu.memref_slice %arg4[%dma_start3A_344, %add3A, %dma_start3A_352, %dma_start3A_353] : memref<8x32x32x256xf32, #tpu.memory_space<hbm>> -> memref<1x1x16x256xf32, #tpu.memory_space<hbm>>
    %dma_start3A_355 = tpu.memref_squeeze %dma_start3A_354 : memref<1x1x16x256xf32, #tpu.memory_space<hbm>> -> memref<16x256xf32, #tpu.memory_space<hbm>>
    %dma_start3A_356 = arith.constant 16 : i32
    %dma_start3A_357 = arith.constant 0 : i32
    %dma_start3A_358 = tpu.memref_slice %arg7[%dma_start3A_356, %dma_start3A_357] : memref<32x256xf32, #tpu.memory_space<vmem>> -> memref<16x256xf32, #tpu.memory_space<vmem>>
    tpu.enqueue_dma source(%dma_start3A_358 : memref<16x256xf32, #tpu.memory_space<vmem>>) target(%dma_start3A_355 : memref<16x256xf32, #tpu.memory_space<hbm>>) target_semaphore(%arg9 : memref<!tpu.dma_semaphore, #tpu.memory_space<semaphore_mem>>)
    %dma_start3A_359 = arith.constant 7 : i32
    %dma_start3A_360 = arith.constant 16 : i32
    %dma_start3A_361 = arith.constant 0 : i32
    %dma_start3A_362 = tpu.memref_slice %arg7[%dma_start3A_360, %dma_start3A_361] : memref<32x256xf32, #tpu.memory_space<vmem>> -> memref<16x256xf32, #tpu.memory_space<vmem>>
    %dma_start3A_363 = arith.constant 16 : i32
    %dma_start3A_364 = arith.constant 0 : i32
    %dma_start3A_365 = tpu.memref_slice %arg4[%dma_start3A_359, %add3A, %dma_start3A_363, %dma_start3A_364] : memref<8x32x32x256xf32, #tpu.memory_space<hbm>> -> memref<1x1x16x256xf32, #tpu.memory_space<hbm>>
    %dma_start3A_366 = tpu.memref_squeeze %dma_start3A_365 : memref<1x1x16x256xf32, #tpu.memory_space<hbm>> -> memref<16x256xf32, #tpu.memory_space<hbm>>
    %dma_start3A_367 = arith.constant 16 : i32
    %dma_start3A_368 = arith.constant 0 : i32
    %dma_start3A_369 = tpu.memref_slice %arg4[%dma_start3A_359, %add3A, %dma_start3A_367, %dma_start3A_368] : memref<8x32x32x256xf32, #tpu.memory_space<hbm>> -> memref<1x1x16x256xf32, #tpu.memory_space<hbm>>
    %dma_start3A_370 = tpu.memref_squeeze %dma_start3A_369 : memref<1x1x16x256xf32, #tpu.memory_space<hbm>> -> memref<16x256xf32, #tpu.memory_space<hbm>>
    %dma_start3A_371 = arith.constant 16 : i32
    %dma_start3A_372 = arith.constant 0 : i32
    %dma_start3A_373 = tpu.memref_slice %arg7[%dma_start3A_371, %dma_start3A_372] : memref<32x256xf32, #tpu.memory_space<vmem>> -> memref<16x256xf32, #tpu.memory_space<vmem>>
    tpu.enqueue_dma source(%dma_start3A_373 : memref<16x256xf32, #tpu.memory_space<vmem>>) target(%dma_start3A_370 : memref<16x256xf32, #tpu.memory_space<hbm>>) target_semaphore(%arg9 : memref<!tpu.dma_semaphore, #tpu.memory_space<semaphore_mem>>)
    %dma_wait3A_374 = arith.constant 0 : i32
    %dma_wait3A_375 = arith.constant 0 : i32
    %dma_wait3A_376 = arith.constant 0 : i32
    %dma_wait3A_377 = tpu.memref_slice %arg7[%dma_wait3A_375, %dma_wait3A_376] : memref<32x256xf32, #tpu.memory_space<vmem>> -> memref<16x256xf32, #tpu.memory_space<vmem>>
    %dma_wait3A_378 = arith.constant 0 : i32
    %dma_wait3A_379 = arith.constant 0 : i32
    %dma_wait3A_380 = tpu.memref_slice %arg4[%dma_wait3A_374, %add3A, %dma_wait3A_378, %dma_wait3A_379] : memref<8x32x32x256xf32, #tpu.memory_space<hbm>> -> memref<1x1x16x256xf32, #tpu.memory_space<hbm>>
    %dma_wait3A_381 = tpu.memref_squeeze %dma_wait3A_380 : memref<1x1x16x256xf32, #tpu.memory_space<hbm>> -> memref<16x256xf32, #tpu.memory_space<hbm>>
    %dma_wait3A_382 = arith.constant 0 : i32
    %dma_wait3A_383 = arith.constant 0 : i32
    %dma_wait3A_384 = tpu.memref_slice %arg4[%dma_wait3A_374, %add3A, %dma_wait3A_382, %dma_wait3A_383] : memref<8x32x32x256xf32, #tpu.memory_space<hbm>> -> memref<1x1x16x256xf32, #tpu.memory_space<hbm>>
    %dma_wait3A_385 = tpu.memref_squeeze %dma_wait3A_384 : memref<1x1x16x256xf32, #tpu.memory_space<hbm>> -> memref<16x256xf32, #tpu.memory_space<hbm>>
    %dma_wait3A_386 = arith.constant 0 : i32
    %dma_wait3A_387 = arith.constant 0 : i32
    %dma_wait3A_388 = tpu.memref_slice %arg7[%dma_wait3A_386, %dma_wait3A_387] : memref<32x256xf32, #tpu.memory_space<vmem>> -> memref<16x256xf32, #tpu.memory_space<vmem>>
    tpu.wait_dma2 semaphore(%arg9 : memref<!tpu.dma_semaphore, #tpu.memory_space<semaphore_mem>>) src(%dma_wait3A_388 : memref<16x256xf32, #tpu.memory_space<vmem>>) dst(%dma_wait3A_385 : memref<16x256xf32, #tpu.memory_space<hbm>>)
    %dma_wait3A_389 = arith.constant 1 : i32
    %dma_wait3A_390 = arith.constant 0 : i32
    %dma_wait3A_391 = arith.constant 0 : i32
    %dma_wait3A_392 = tpu.memref_slice %arg7[%dma_wait3A_390, %dma_wait3A_391] : memref<32x256xf32, #tpu.memory_space<vmem>> -> memref<16x256xf32, #tpu.memory_space<vmem>>
    %dma_wait3A_393 = arith.constant 0 : i32
    %dma_wait3A_394 = arith.constant 0 : i32
    %dma_wait3A_395 = tpu.memref_slice %arg4[%dma_wait3A_389, %add3A, %dma_wait3A_393, %dma_wait3A_394] : memref<8x32x32x256xf32, #tpu.memory_space<hbm>> -> memref<1x1x16x256xf32, #tpu.memory_space<hbm>>
    %dma_wait3A_396 = tpu.memref_squeeze %dma_wait3A_395 : memref<1x1x16x256xf32, #tpu.memory_space<hbm>> -> memref<16x256xf32, #tpu.memory_space<hbm>>
    %dma_wait3A_397 = arith.constant 0 : i32
    %dma_wait3A_398 = arith.constant 0 : i32
    %dma_wait3A_399 = tpu.memref_slice %arg4[%dma_wait3A_389, %add3A, %dma_wait3A_397, %dma_wait3A_398] : memref<8x32x32x256xf32, #tpu.memory_space<hbm>> -> memref<1x1x16x256xf32, #tpu.memory_space<hbm>>
    %dma_wait3A_400 = tpu.memref_squeeze %dma_wait3A_399 : memref<1x1x16x256xf32, #tpu.memory_space<hbm>> -> memref<16x256xf32, #tpu.memory_space<hbm>>
    %dma_wait3A_401 = arith.constant 0 : i32
    %dma_wait3A_402 = arith.constant 0 : i32
    %dma_wait3A_403 = tpu.memref_slice %arg7[%dma_wait3A_401, %dma_wait3A_402] : memref<32x256xf32, #tpu.memory_space<vmem>> -> memref<16x256xf32, #tpu.memory_space<vmem>>
    tpu.wait_dma2 semaphore(%arg9 : memref<!tpu.dma_semaphore, #tpu.memory_space<semaphore_mem>>) src(%dma_wait3A_403 : memref<16x256xf32, #tpu.memory_space<vmem>>) dst(%dma_wait3A_400 : memref<16x256xf32, #tpu.memory_space<hbm>>)
    %dma_wait3A_404 = arith.constant 2 : i32
    %dma_wait3A_405 = arith.constant 0 : i32
    %dma_wait3A_406 = arith.constant 0 : i32
    %dma_wait3A_407 = tpu.memref_slice %arg7[%dma_wait3A_405, %dma_wait3A_406] : memref<32x256xf32, #tpu.memory_space<vmem>> -> memref<16x256xf32, #tpu.memory_space<vmem>>
    %dma_wait3A_408 = arith.constant 0 : i32
    %dma_wait3A_409 = arith.constant 0 : i32
    %dma_wait3A_410 = tpu.memref_slice %arg4[%dma_wait3A_404, %add3A, %dma_wait3A_408, %dma_wait3A_409] : memref<8x32x32x256xf32, #tpu.memory_space<hbm>> -> memref<1x1x16x256xf32, #tpu.memory_space<hbm>>
    %dma_wait3A_411 = tpu.memref_squeeze %dma_wait3A_410 : memref<1x1x16x256xf32, #tpu.memory_space<hbm>> -> memref<16x256xf32, #tpu.memory_space<hbm>>
    %dma_wait3A_412 = arith.constant 0 : i32
    %dma_wait3A_413 = arith.constant 0 : i32
    %dma_wait3A_414 = tpu.memref_slice %arg4[%dma_wait3A_404, %add3A, %dma_wait3A_412, %dma_wait3A_413] : memref<8x32x32x256xf32, #tpu.memory_space<hbm>> -> memref<1x1x16x256xf32, #tpu.memory_space<hbm>>
    %dma_wait3A_415 = tpu.memref_squeeze %dma_wait3A_414 : memref<1x1x16x256xf32, #tpu.memory_space<hbm>> -> memref<16x256xf32, #tpu.memory_space<hbm>>
    %dma_wait3A_416 = arith.constant 0 : i32
    %dma_wait3A_417 = arith.constant 0 : i32
    %dma_wait3A_418 = tpu.memref_slice %arg7[%dma_wait3A_416, %dma_wait3A_417] : memref<32x256xf32, #tpu.memory_space<vmem>> -> memref<16x256xf32, #tpu.memory_space<vmem>>
    tpu.wait_dma2 semaphore(%arg9 : memref<!tpu.dma_semaphore, #tpu.memory_space<semaphore_mem>>) src(%dma_wait3A_418 : memref<16x256xf32, #tpu.memory_space<vmem>>) dst(%dma_wait3A_415 : memref<16x256xf32, #tpu.memory_space<hbm>>)
    %dma_wait3A_419 = arith.constant 3 : i32
    %dma_wait3A_420 = arith.constant 0 : i32
    %dma_wait3A_421 = arith.constant 0 : i32
    %dma_wait3A_422 = tpu.memref_slice %arg7[%dma_wait3A_420, %dma_wait3A_421] : memref<32x256xf32, #tpu.memory_space<vmem>> -> memref<16x256xf32, #tpu.memory_space<vmem>>
    %dma_wait3A_423 = arith.constant 0 : i32
    %dma_wait3A_424 = arith.constant 0 : i32
    %dma_wait3A_425 = tpu.memref_slice %arg4[%dma_wait3A_419, %add3A, %dma_wait3A_423, %dma_wait3A_424] : memref<8x32x32x256xf32, #tpu.memory_space<hbm>> -> memref<1x1x16x256xf32, #tpu.memory_space<hbm>>
    %dma_wait3A_426 = tpu.memref_squeeze %dma_wait3A_425 : memref<1x1x16x256xf32, #tpu.memory_space<hbm>> -> memref<16x256xf32, #tpu.memory_space<hbm>>
    %dma_wait3A_427 = arith.constant 0 : i32
    %dma_wait3A_428 = arith.constant 0 : i32
    %dma_wait3A_429 = tpu.memref_slice %arg4[%dma_wait3A_419, %add3A, %dma_wait3A_427, %dma_wait3A_428] : memref<8x32x32x256xf32, #tpu.memory_space<hbm>> -> memref<1x1x16x256xf32, #tpu.memory_space<hbm>>
    %dma_wait3A_430 = tpu.memref_squeeze %dma_wait3A_429 : memref<1x1x16x256xf32, #tpu.memory_space<hbm>> -> memref<16x256xf32, #tpu.memory_space<hbm>>
    %dma_wait3A_431 = arith.constant 0 : i32
    %dma_wait3A_432 = arith.constant 0 : i32
    %dma_wait3A_433 = tpu.memref_slice %arg7[%dma_wait3A_431, %dma_wait3A_432] : memref<32x256xf32, #tpu.memory_space<vmem>> -> memref<16x256xf32, #tpu.memory_space<vmem>>
    tpu.wait_dma2 semaphore(%arg9 : memref<!tpu.dma_semaphore, #tpu.memory_space<semaphore_mem>>) src(%dma_wait3A_433 : memref<16x256xf32, #tpu.memory_space<vmem>>) dst(%dma_wait3A_430 : memref<16x256xf32, #tpu.memory_space<hbm>>)
    %dma_wait3A_434 = arith.constant 4 : i32
    %dma_wait3A_435 = arith.constant 0 : i32
    %dma_wait3A_436 = arith.constant 0 : i32
    %dma_wait3A_437 = tpu.memref_slice %arg7[%dma_wait3A_435, %dma_wait3A_436] : memref<32x256xf32, #tpu.memory_space<vmem>> -> memref<16x256xf32, #tpu.memory_space<vmem>>
    %dma_wait3A_438 = arith.constant 0 : i32
    %dma_wait3A_439 = arith.constant 0 : i32
    %dma_wait3A_440 = tpu.memref_slice %arg4[%dma_wait3A_434, %add3A, %dma_wait3A_438, %dma_wait3A_439] : memref<8x32x32x256xf32, #tpu.memory_space<hbm>> -> memref<1x1x16x256xf32, #tpu.memory_space<hbm>>
    %dma_wait3A_441 = tpu.memref_squeeze %dma_wait3A_440 : memref<1x1x16x256xf32, #tpu.memory_space<hbm>> -> memref<16x256xf32, #tpu.memory_space<hbm>>
    %dma_wait3A_442 = arith.constant 0 : i32
    %dma_wait3A_443 = arith.constant 0 : i32
    %dma_wait3A_444 = tpu.memref_slice %arg4[%dma_wait3A_434, %add3A, %dma_wait3A_442, %dma_wait3A_443] : memref<8x32x32x256xf32, #tpu.memory_space<hbm>> -> memref<1x1x16x256xf32, #tpu.memory_space<hbm>>
    %dma_wait3A_445 = tpu.memref_squeeze %dma_wait3A_444 : memref<1x1x16x256xf32, #tpu.memory_space<hbm>> -> memref<16x256xf32, #tpu.memory_space<hbm>>
    %dma_wait3A_446 = arith.constant 0 : i32
    %dma_wait3A_447 = arith.constant 0 : i32
    %dma_wait3A_448 = tpu.memref_slice %arg7[%dma_wait3A_446, %dma_wait3A_447] : memref<32x256xf32, #tpu.memory_space<vmem>> -> memref<16x256xf32, #tpu.memory_space<vmem>>
    tpu.wait_dma2 semaphore(%arg9 : memref<!tpu.dma_semaphore, #tpu.memory_space<semaphore_mem>>) src(%dma_wait3A_448 : memref<16x256xf32, #tpu.memory_space<vmem>>) dst(%dma_wait3A_445 : memref<16x256xf32, #tpu.memory_space<hbm>>)
    %dma_wait3A_449 = arith.constant 5 : i32
    %dma_wait3A_450 = arith.constant 0 : i32
    %dma_wait3A_451 = arith.constant 0 : i32
    %dma_wait3A_452 = tpu.memref_slice %arg7[%dma_wait3A_450, %dma_wait3A_451] : memref<32x256xf32, #tpu.memory_space<vmem>> -> memref<16x256xf32, #tpu.memory_space<vmem>>
    %dma_wait3A_453 = arith.constant 0 : i32
    %dma_wait3A_454 = arith.constant 0 : i32
    %dma_wait3A_455 = tpu.memref_slice %arg4[%dma_wait3A_449, %add3A, %dma_wait3A_453, %dma_wait3A_454] : memref<8x32x32x256xf32, #tpu.memory_space<hbm>> -> memref<1x1x16x256xf32, #tpu.memory_space<hbm>>
    %dma_wait3A_456 = tpu.memref_squeeze %dma_wait3A_455 : memref<1x1x16x256xf32, #tpu.memory_space<hbm>> -> memref<16x256xf32, #tpu.memory_space<hbm>>
    %dma_wait3A_457 = arith.constant 0 : i32
    %dma_wait3A_458 = arith.constant 0 : i32
    %dma_wait3A_459 = tpu.memref_slice %arg4[%dma_wait3A_449, %add3A, %dma_wait3A_457, %dma_wait3A_458] : memref<8x32x32x256xf32, #tpu.memory_space<hbm>> -> memref<1x1x16x256xf32, #tpu.memory_space<hbm>>
    %dma_wait3A_460 = tpu.memref_squeeze %dma_wait3A_459 : memref<1x1x16x256xf32, #tpu.memory_space<hbm>> -> memref<16x256xf32, #tpu.memory_space<hbm>>
    %dma_wait3A_461 = arith.constant 0 : i32
    %dma_wait3A_462 = arith.constant 0 : i32
    %dma_wait3A_463 = tpu.memref_slice %arg7[%dma_wait3A_461, %dma_wait3A_462] : memref<32x256xf32, #tpu.memory_space<vmem>> -> memref<16x256xf32, #tpu.memory_space<vmem>>
    tpu.wait_dma2 semaphore(%arg9 : memref<!tpu.dma_semaphore, #tpu.memory_space<semaphore_mem>>) src(%dma_wait3A_463 : memref<16x256xf32, #tpu.memory_space<vmem>>) dst(%dma_wait3A_460 : memref<16x256xf32, #tpu.memory_space<hbm>>)
    %dma_wait3A_464 = arith.constant 6 : i32
    %dma_wait3A_465 = arith.constant 0 : i32
    %dma_wait3A_466 = arith.constant 0 : i32
    %dma_wait3A_467 = tpu.memref_slice %arg7[%dma_wait3A_465, %dma_wait3A_466] : memref<32x256xf32, #tpu.memory_space<vmem>> -> memref<16x256xf32, #tpu.memory_space<vmem>>
    %dma_wait3A_468 = arith.constant 0 : i32
    %dma_wait3A_469 = arith.constant 0 : i32
    %dma_wait3A_470 = tpu.memref_slice %arg4[%dma_wait3A_464, %add3A, %dma_wait3A_468, %dma_wait3A_469] : memref<8x32x32x256xf32, #tpu.memory_space<hbm>> -> memref<1x1x16x256xf32, #tpu.memory_space<hbm>>
    %dma_wait3A_471 = tpu.memref_squeeze %dma_wait3A_470 : memref<1x1x16x256xf32, #tpu.memory_space<hbm>> -> memref<16x256xf32, #tpu.memory_space<hbm>>
    %dma_wait3A_472 = arith.constant 0 : i32
    %dma_wait3A_473 = arith.constant 0 : i32
    %dma_wait3A_474 = tpu.memref_slice %arg4[%dma_wait3A_464, %add3A, %dma_wait3A_472, %dma_wait3A_473] : memref<8x32x32x256xf32, #tpu.memory_space<hbm>> -> memref<1x1x16x256xf32, #tpu.memory_space<hbm>>
    %dma_wait3A_475 = tpu.memref_squeeze %dma_wait3A_474 : memref<1x1x16x256xf32, #tpu.memory_space<hbm>> -> memref<16x256xf32, #tpu.memory_space<hbm>>
    %dma_wait3A_476 = arith.constant 0 : i32
    %dma_wait3A_477 = arith.constant 0 : i32
    %dma_wait3A_478 = tpu.memref_slice %arg7[%dma_wait3A_476, %dma_wait3A_477] : memref<32x256xf32, #tpu.memory_space<vmem>> -> memref<16x256xf32, #tpu.memory_space<vmem>>
    tpu.wait_dma2 semaphore(%arg9 : memref<!tpu.dma_semaphore, #tpu.memory_space<semaphore_mem>>) src(%dma_wait3A_478 : memref<16x256xf32, #tpu.memory_space<vmem>>) dst(%dma_wait3A_475 : memref<16x256xf32, #tpu.memory_space<hbm>>)
    %dma_wait3A_479 = arith.constant 7 : i32
    %dma_wait3A_480 = arith.constant 0 : i32
    %dma_wait3A_481 = arith.constant 0 : i32
    %dma_wait3A_482 = tpu.memref_slice %arg7[%dma_wait3A_480, %dma_wait3A_481] : memref<32x256xf32, #tpu.memory_space<vmem>> -> memref<16x256xf32, #tpu.memory_space<vmem>>
    %dma_wait3A_483 = arith.constant 0 : i32
    %dma_wait3A_484 = arith.constant 0 : i32
    %dma_wait3A_485 = tpu.memref_slice %arg4[%dma_wait3A_479, %add3A, %dma_wait3A_483, %dma_wait3A_484] : memref<8x32x32x256xf32, #tpu.memory_space<hbm>> -> memref<1x1x16x256xf32, #tpu.memory_space<hbm>>
    %dma_wait3A_486 = tpu.memref_squeeze %dma_wait3A_485 : memref<1x1x16x256xf32, #tpu.memory_space<hbm>> -> memref<16x256xf32, #tpu.memory_space<hbm>>
    %dma_wait3A_487 = arith.constant 0 : i32
    %dma_wait3A_488 = arith.constant 0 : i32
    %dma_wait3A_489 = tpu.memref_slice %arg4[%dma_wait3A_479, %add3A, %dma_wait3A_487, %dma_wait3A_488] : memref<8x32x32x256xf32, #tpu.memory_space<hbm>> -> memref<1x1x16x256xf32, #tpu.memory_space<hbm>>
    %dma_wait3A_490 = tpu.memref_squeeze %dma_wait3A_489 : memref<1x1x16x256xf32, #tpu.memory_space<hbm>> -> memref<16x256xf32, #tpu.memory_space<hbm>>
    %dma_wait3A_491 = arith.constant 0 : i32
    %dma_wait3A_492 = arith.constant 0 : i32
    %dma_wait3A_493 = tpu.memref_slice %arg7[%dma_wait3A_491, %dma_wait3A_492] : memref<32x256xf32, #tpu.memory_space<vmem>> -> memref<16x256xf32, #tpu.memory_space<vmem>>
    tpu.wait_dma2 semaphore(%arg9 : memref<!tpu.dma_semaphore, #tpu.memory_space<semaphore_mem>>) src(%dma_wait3A_493 : memref<16x256xf32, #tpu.memory_space<vmem>>) dst(%dma_wait3A_490 : memref<16x256xf32, #tpu.memory_space<hbm>>)
    %dma_wait3A_494 = arith.constant 0 : i32
    %dma_wait3A_495 = arith.constant 16 : i32
    %dma_wait3A_496 = arith.constant 0 : i32
    %dma_wait3A_497 = tpu.memref_slice %arg7[%dma_wait3A_495, %dma_wait3A_496] : memref<32x256xf32, #tpu.memory_space<vmem>> -> memref<16x256xf32, #tpu.memory_space<vmem>>
    %dma_wait3A_498 = arith.constant 16 : i32
    %dma_wait3A_499 = arith.constant 0 : i32
    %dma_wait3A_500 = tpu.memref_slice %arg4[%dma_wait3A_494, %add3A, %dma_wait3A_498, %dma_wait3A_499] : memref<8x32x32x256xf32, #tpu.memory_space<hbm>> -> memref<1x1x16x256xf32, #tpu.memory_space<hbm>>
    %dma_wait3A_501 = tpu.memref_squeeze %dma_wait3A_500 : memref<1x1x16x256xf32, #tpu.memory_space<hbm>> -> memref<16x256xf32, #tpu.memory_space<hbm>>
    %dma_wait3A_502 = arith.constant 16 : i32
    %dma_wait3A_503 = arith.constant 0 : i32
    %dma_wait3A_504 = tpu.memref_slice %arg4[%dma_wait3A_494, %add3A, %dma_wait3A_502, %dma_wait3A_503] : memref<8x32x32x256xf32, #tpu.memory_space<hbm>> -> memref<1x1x16x256xf32, #tpu.memory_space<hbm>>
    %dma_wait3A_505 = tpu.memref_squeeze %dma_wait3A_504 : memref<1x1x16x256xf32, #tpu.memory_space<hbm>> -> memref<16x256xf32, #tpu.memory_space<hbm>>
    %dma_wait3A_506 = arith.constant 16 : i32
    %dma_wait3A_507 = arith.constant 0 : i32
    %dma_wait3A_508 = tpu.memref_slice %arg7[%dma_wait3A_506, %dma_wait3A_507] : memref<32x256xf32, #tpu.memory_space<vmem>> -> memref<16x256xf32, #tpu.memory_space<vmem>>
    tpu.wait_dma2 semaphore(%arg9 : memref<!tpu.dma_semaphore, #tpu.memory_space<semaphore_mem>>) src(%dma_wait3A_508 : memref<16x256xf32, #tpu.memory_space<vmem>>) dst(%dma_wait3A_505 : memref<16x256xf32, #tpu.memory_space<hbm>>)
    %dma_wait3A_509 = arith.constant 1 : i32
    %dma_wait3A_510 = arith.constant 16 : i32
    %dma_wait3A_511 = arith.constant 0 : i32
    %dma_wait3A_512 = tpu.memref_slice %arg7[%dma_wait3A_510, %dma_wait3A_511] : memref<32x256xf32, #tpu.memory_space<vmem>> -> memref<16x256xf32, #tpu.memory_space<vmem>>
    %dma_wait3A_513 = arith.constant 16 : i32
    %dma_wait3A_514 = arith.constant 0 : i32
    %dma_wait3A_515 = tpu.memref_slice %arg4[%dma_wait3A_509, %add3A, %dma_wait3A_513, %dma_wait3A_514] : memref<8x32x32x256xf32, #tpu.memory_space<hbm>> -> memref<1x1x16x256xf32, #tpu.memory_space<hbm>>
    %dma_wait3A_516 = tpu.memref_squeeze %dma_wait3A_515 : memref<1x1x16x256xf32, #tpu.memory_space<hbm>> -> memref<16x256xf32, #tpu.memory_space<hbm>>
    %dma_wait3A_517 = arith.constant 16 : i32
    %dma_wait3A_518 = arith.constant 0 : i32
    %dma_wait3A_519 = tpu.memref_slice %arg4[%dma_wait3A_509, %add3A, %dma_wait3A_517, %dma_wait3A_518] : memref<8x32x32x256xf32, #tpu.memory_space<hbm>> -> memref<1x1x16x256xf32, #tpu.memory_space<hbm>>
    %dma_wait3A_520 = tpu.memref_squeeze %dma_wait3A_519 : memref<1x1x16x256xf32, #tpu.memory_space<hbm>> -> memref<16x256xf32, #tpu.memory_space<hbm>>
    %dma_wait3A_521 = arith.constant 16 : i32
    %dma_wait3A_522 = arith.constant 0 : i32
    %dma_wait3A_523 = tpu.memref_slice %arg7[%dma_wait3A_521, %dma_wait3A_522] : memref<32x256xf32, #tpu.memory_space<vmem>> -> memref<16x256xf32, #tpu.memory_space<vmem>>
    tpu.wait_dma2 semaphore(%arg9 : memref<!tpu.dma_semaphore, #tpu.memory_space<semaphore_mem>>) src(%dma_wait3A_523 : memref<16x256xf32, #tpu.memory_space<vmem>>) dst(%dma_wait3A_520 : memref<16x256xf32, #tpu.memory_space<hbm>>)
    %dma_wait3A_524 = arith.constant 2 : i32
    %dma_wait3A_525 = arith.constant 16 : i32
    %dma_wait3A_526 = arith.constant 0 : i32
    %dma_wait3A_527 = tpu.memref_slice %arg7[%dma_wait3A_525, %dma_wait3A_526] : memref<32x256xf32, #tpu.memory_space<vmem>> -> memref<16x256xf32, #tpu.memory_space<vmem>>
    %dma_wait3A_528 = arith.constant 16 : i32
    %dma_wait3A_529 = arith.constant 0 : i32
    %dma_wait3A_530 = tpu.memref_slice %arg4[%dma_wait3A_524, %add3A, %dma_wait3A_528, %dma_wait3A_529] : memref<8x32x32x256xf32, #tpu.memory_space<hbm>> -> memref<1x1x16x256xf32, #tpu.memory_space<hbm>>
    %dma_wait3A_531 = tpu.memref_squeeze %dma_wait3A_530 : memref<1x1x16x256xf32, #tpu.memory_space<hbm>> -> memref<16x256xf32, #tpu.memory_space<hbm>>
    %dma_wait3A_532 = arith.constant 16 : i32
    %dma_wait3A_533 = arith.constant 0 : i32
    %dma_wait3A_534 = tpu.memref_slice %arg4[%dma_wait3A_524, %add3A, %dma_wait3A_532, %dma_wait3A_533] : memref<8x32x32x256xf32, #tpu.memory_space<hbm>> -> memref<1x1x16x256xf32, #tpu.memory_space<hbm>>
    %dma_wait3A_535 = tpu.memref_squeeze %dma_wait3A_534 : memref<1x1x16x256xf32, #tpu.memory_space<hbm>> -> memref<16x256xf32, #tpu.memory_space<hbm>>
    %dma_wait3A_536 = arith.constant 16 : i32
    %dma_wait3A_537 = arith.constant 0 : i32
    %dma_wait3A_538 = tpu.memref_slice %arg7[%dma_wait3A_536, %dma_wait3A_537] : memref<32x256xf32, #tpu.memory_space<vmem>> -> memref<16x256xf32, #tpu.memory_space<vmem>>
    tpu.wait_dma2 semaphore(%arg9 : memref<!tpu.dma_semaphore, #tpu.memory_space<semaphore_mem>>) src(%dma_wait3A_538 : memref<16x256xf32, #tpu.memory_space<vmem>>) dst(%dma_wait3A_535 : memref<16x256xf32, #tpu.memory_space<hbm>>)
    %dma_wait3A_539 = arith.constant 3 : i32
    %dma_wait3A_540 = arith.constant 16 : i32
    %dma_wait3A_541 = arith.constant 0 : i32
    %dma_wait3A_542 = tpu.memref_slice %arg7[%dma_wait3A_540, %dma_wait3A_541] : memref<32x256xf32, #tpu.memory_space<vmem>> -> memref<16x256xf32, #tpu.memory_space<vmem>>
    %dma_wait3A_543 = arith.constant 16 : i32
    %dma_wait3A_544 = arith.constant 0 : i32
    %dma_wait3A_545 = tpu.memref_slice %arg4[%dma_wait3A_539, %add3A, %dma_wait3A_543, %dma_wait3A_544] : memref<8x32x32x256xf32, #tpu.memory_space<hbm>> -> memref<1x1x16x256xf32, #tpu.memory_space<hbm>>
    %dma_wait3A_546 = tpu.memref_squeeze %dma_wait3A_545 : memref<1x1x16x256xf32, #tpu.memory_space<hbm>> -> memref<16x256xf32, #tpu.memory_space<hbm>>
    %dma_wait3A_547 = arith.constant 16 : i32
    %dma_wait3A_548 = arith.constant 0 : i32
    %dma_wait3A_549 = tpu.memref_slice %arg4[%dma_wait3A_539, %add3A, %dma_wait3A_547, %dma_wait3A_548] : memref<8x32x32x256xf32, #tpu.memory_space<hbm>> -> memref<1x1x16x256xf32, #tpu.memory_space<hbm>>
    %dma_wait3A_550 = tpu.memref_squeeze %dma_wait3A_549 : memref<1x1x16x256xf32, #tpu.memory_space<hbm>> -> memref<16x256xf32, #tpu.memory_space<hbm>>
    %dma_wait3A_551 = arith.constant 16 : i32
    %dma_wait3A_552 = arith.constant 0 : i32
    %dma_wait3A_553 = tpu.memref_slice %arg7[%dma_wait3A_551, %dma_wait3A_552] : memref<32x256xf32, #tpu.memory_space<vmem>> -> memref<16x256xf32, #tpu.memory_space<vmem>>
    tpu.wait_dma2 semaphore(%arg9 : memref<!tpu.dma_semaphore, #tpu.memory_space<semaphore_mem>>) src(%dma_wait3A_553 : memref<16x256xf32, #tpu.memory_space<vmem>>) dst(%dma_wait3A_550 : memref<16x256xf32, #tpu.memory_space<hbm>>)
    %dma_wait3A_554 = arith.constant 4 : i32
    %dma_wait3A_555 = arith.constant 16 : i32
    %dma_wait3A_556 = arith.constant 0 : i32
    %dma_wait3A_557 = tpu.memref_slice %arg7[%dma_wait3A_555, %dma_wait3A_556] : memref<32x256xf32, #tpu.memory_space<vmem>> -> memref<16x256xf32, #tpu.memory_space<vmem>>
    %dma_wait3A_558 = arith.constant 16 : i32
    %dma_wait3A_559 = arith.constant 0 : i32
    %dma_wait3A_560 = tpu.memref_slice %arg4[%dma_wait3A_554, %add3A, %dma_wait3A_558, %dma_wait3A_559] : memref<8x32x32x256xf32, #tpu.memory_space<hbm>> -> memref<1x1x16x256xf32, #tpu.memory_space<hbm>>
    %dma_wait3A_561 = tpu.memref_squeeze %dma_wait3A_560 : memref<1x1x16x256xf32, #tpu.memory_space<hbm>> -> memref<16x256xf32, #tpu.memory_space<hbm>>
    %dma_wait3A_562 = arith.constant 16 : i32
    %dma_wait3A_563 = arith.constant 0 : i32
    %dma_wait3A_564 = tpu.memref_slice %arg4[%dma_wait3A_554, %add3A, %dma_wait3A_562, %dma_wait3A_563] : memref<8x32x32x256xf32, #tpu.memory_space<hbm>> -> memref<1x1x16x256xf32, #tpu.memory_space<hbm>>
    %dma_wait3A_565 = tpu.memref_squeeze %dma_wait3A_564 : memref<1x1x16x256xf32, #tpu.memory_space<hbm>> -> memref<16x256xf32, #tpu.memory_space<hbm>>
    %dma_wait3A_566 = arith.constant 16 : i32
    %dma_wait3A_567 = arith.constant 0 : i32
    %dma_wait3A_568 = tpu.memref_slice %arg7[%dma_wait3A_566, %dma_wait3A_567] : memref<32x256xf32, #tpu.memory_space<vmem>> -> memref<16x256xf32, #tpu.memory_space<vmem>>
    tpu.wait_dma2 semaphore(%arg9 : memref<!tpu.dma_semaphore, #tpu.memory_space<semaphore_mem>>) src(%dma_wait3A_568 : memref<16x256xf32, #tpu.memory_space<vmem>>) dst(%dma_wait3A_565 : memref<16x256xf32, #tpu.memory_space<hbm>>)
    %dma_wait3A_569 = arith.constant 5 : i32
    %dma_wait3A_570 = arith.constant 16 : i32
    %dma_wait3A_571 = arith.constant 0 : i32
    %dma_wait3A_572 = tpu.memref_slice %arg7[%dma_wait3A_570, %dma_wait3A_571] : memref<32x256xf32, #tpu.memory_space<vmem>> -> memref<16x256xf32, #tpu.memory_space<vmem>>
    %dma_wait3A_573 = arith.constant 16 : i32
    %dma_wait3A_574 = arith.constant 0 : i32
    %dma_wait3A_575 = tpu.memref_slice %arg4[%dma_wait3A_569, %add3A, %dma_wait3A_573, %dma_wait3A_574] : memref<8x32x32x256xf32, #tpu.memory_space<hbm>> -> memref<1x1x16x256xf32, #tpu.memory_space<hbm>>
    %dma_wait3A_576 = tpu.memref_squeeze %dma_wait3A_575 : memref<1x1x16x256xf32, #tpu.memory_space<hbm>> -> memref<16x256xf32, #tpu.memory_space<hbm>>
    %dma_wait3A_577 = arith.constant 16 : i32
    %dma_wait3A_578 = arith.constant 0 : i32
    %dma_wait3A_579 = tpu.memref_slice %arg4[%dma_wait3A_569, %add3A, %dma_wait3A_577, %dma_wait3A_578] : memref<8x32x32x256xf32, #tpu.memory_space<hbm>> -> memref<1x1x16x256xf32, #tpu.memory_space<hbm>>
    %dma_wait3A_580 = tpu.memref_squeeze %dma_wait3A_579 : memref<1x1x16x256xf32, #tpu.memory_space<hbm>> -> memref<16x256xf32, #tpu.memory_space<hbm>>
    %dma_wait3A_581 = arith.constant 16 : i32
    %dma_wait3A_582 = arith.constant 0 : i32
    %dma_wait3A_583 = tpu.memref_slice %arg7[%dma_wait3A_581, %dma_wait3A_582] : memref<32x256xf32, #tpu.memory_space<vmem>> -> memref<16x256xf32, #tpu.memory_space<vmem>>
    tpu.wait_dma2 semaphore(%arg9 : memref<!tpu.dma_semaphore, #tpu.memory_space<semaphore_mem>>) src(%dma_wait3A_583 : memref<16x256xf32, #tpu.memory_space<vmem>>) dst(%dma_wait3A_580 : memref<16x256xf32, #tpu.memory_space<hbm>>)
    %dma_wait3A_584 = arith.constant 6 : i32
    %dma_wait3A_585 = arith.constant 16 : i32
    %dma_wait3A_586 = arith.constant 0 : i32
    %dma_wait3A_587 = tpu.memref_slice %arg7[%dma_wait3A_585, %dma_wait3A_586] : memref<32x256xf32, #tpu.memory_space<vmem>> -> memref<16x256xf32, #tpu.memory_space<vmem>>
    %dma_wait3A_588 = arith.constant 16 : i32
    %dma_wait3A_589 = arith.constant 0 : i32
    %dma_wait3A_590 = tpu.memref_slice %arg4[%dma_wait3A_584, %add3A, %dma_wait3A_588, %dma_wait3A_589] : memref<8x32x32x256xf32, #tpu.memory_space<hbm>> -> memref<1x1x16x256xf32, #tpu.memory_space<hbm>>
    %dma_wait3A_591 = tpu.memref_squeeze %dma_wait3A_590 : memref<1x1x16x256xf32, #tpu.memory_space<hbm>> -> memref<16x256xf32, #tpu.memory_space<hbm>>
    %dma_wait3A_592 = arith.constant 16 : i32
    %dma_wait3A_593 = arith.constant 0 : i32
    %dma_wait3A_594 = tpu.memref_slice %arg4[%dma_wait3A_584, %add3A, %dma_wait3A_592, %dma_wait3A_593] : memref<8x32x32x256xf32, #tpu.memory_space<hbm>> -> memref<1x1x16x256xf32, #tpu.memory_space<hbm>>
    %dma_wait3A_595 = tpu.memref_squeeze %dma_wait3A_594 : memref<1x1x16x256xf32, #tpu.memory_space<hbm>> -> memref<16x256xf32, #tpu.memory_space<hbm>>
    %dma_wait3A_596 = arith.constant 16 : i32
    %dma_wait3A_597 = arith.constant 0 : i32
    %dma_wait3A_598 = tpu.memref_slice %arg7[%dma_wait3A_596, %dma_wait3A_597] : memref<32x256xf32, #tpu.memory_space<vmem>> -> memref<16x256xf32, #tpu.memory_space<vmem>>
    tpu.wait_dma2 semaphore(%arg9 : memref<!tpu.dma_semaphore, #tpu.memory_space<semaphore_mem>>) src(%dma_wait3A_598 : memref<16x256xf32, #tpu.memory_space<vmem>>) dst(%dma_wait3A_595 : memref<16x256xf32, #tpu.memory_space<hbm>>)
    %dma_wait3A_599 = arith.constant 7 : i32
    %dma_wait3A_600 = arith.constant 16 : i32
    %dma_wait3A_601 = arith.constant 0 : i32
    %dma_wait3A_602 = tpu.memref_slice %arg7[%dma_wait3A_600, %dma_wait3A_601] : memref<32x256xf32, #tpu.memory_space<vmem>> -> memref<16x256xf32, #tpu.memory_space<vmem>>
    %dma_wait3A_603 = arith.constant 16 : i32
    %dma_wait3A_604 = arith.constant 0 : i32
    %dma_wait3A_605 = tpu.memref_slice %arg4[%dma_wait3A_599, %add3A, %dma_wait3A_603, %dma_wait3A_604] : memref<8x32x32x256xf32, #tpu.memory_space<hbm>> -> memref<1x1x16x256xf32, #tpu.memory_space<hbm>>
    %dma_wait3A_606 = tpu.memref_squeeze %dma_wait3A_605 : memref<1x1x16x256xf32, #tpu.memory_space<hbm>> -> memref<16x256xf32, #tpu.memory_space<hbm>>
    %dma_wait3A_607 = arith.constant 16 : i32
    %dma_wait3A_608 = arith.constant 0 : i32
    %dma_wait3A_609 = tpu.memref_slice %arg4[%dma_wait3A_599, %add3A, %dma_wait3A_607, %dma_wait3A_608] : memref<8x32x32x256xf32, #tpu.memory_space<hbm>> -> memref<1x1x16x256xf32, #tpu.memory_space<hbm>>
    %dma_wait3A_610 = tpu.memref_squeeze %dma_wait3A_609 : memref<1x1x16x256xf32, #tpu.memory_space<hbm>> -> memref<16x256xf32, #tpu.memory_space<hbm>>
    %dma_wait3A_611 = arith.constant 16 : i32
    %dma_wait3A_612 = arith.constant 0 : i32
    %dma_wait3A_613 = tpu.memref_slice %arg7[%dma_wait3A_611, %dma_wait3A_612] : memref<32x256xf32, #tpu.memory_space<vmem>> -> memref<16x256xf32, #tpu.memory_space<vmem>>
    tpu.wait_dma2 semaphore(%arg9 : memref<!tpu.dma_semaphore, #tpu.memory_space<semaphore_mem>>) src(%dma_wait3A_613 : memref<16x256xf32, #tpu.memory_space<vmem>>) dst(%dma_wait3A_610 : memref<16x256xf32, #tpu.memory_space<hbm>>)
    return
  }
}

</mosaic_0001>

<sc_bundles>
// kernel: kernel.3.cloned.1.call-start
scs
__scs_entry_jumppad:
0x0: {  	(pc) =	sbr.rel $0x88, $3  }
0x1: {  	(tag) =	ssettag $0x0;
	lr =	simm.s32 $0x1  }
0x2: {  	[smem:$0x3F9F] =	sst lr;
	_ =	strace $0xD0000000  }
0x3: {  	_ = 	snop  }
0x4: {  	_ = 	snop  }
0x5: {  	_ = 	snop  }
0x6: {  	_ = 	snop  }
0x7: {  	_ = 	snop  }
__scs_overlays_trampoline_lowered:
0x8: {  	[smem:$0x3FAE] =	sst s0  }
0x9: {  	[smem:$0x3FAF] =	sst s1  }
0xa: {  	[smem:$0x3FB0] =	sst s2  }
0xb: {  	[smem:$0x3FB1] =	sst s3  }
0xc: {  	[smem:$0x3FB2] =	sst s4  }
0xd: {  	[smem:$0x3FB3] =	sst s5  }
0xe: {  	[smem:$0x3FB4] =	sst s6  }
0xf: {  	[smem:$0x3FB5] =	sst s7  }
0x10: {  	[smem:$0x3FB6] =	sst s8  }
0x11: {  	[smem:$0x3FB7] =	sst s9;
	s0 =	simm.s32 @!p0 $0x0  }
0x12: {  	s1 =	sld [smem:$0x3F9D];
	s0 =	simm.s32 @p0 $0x1  }
0x13: {  	[smem:$0x3FB8] =	sst s0;
	s0 =	simm.s32 @!p1 $0x0  }
0x14: {  	s2 =	sld [smem:$0x3F9C];
	s0 =	simm.s32 @p1 $0x1  }
0x15: {  	[smem:$0x3FB9] =	sst s0;
	s0 =	simm.s32 @!p2 $0x0  }
0x16: {  	s3 =	sld [smem:$0x3FDB];
	s0 =	simm.s32 @p2 $0x1  }
0x17: {  	s4 =	simm.s32 $0x1BF5;
	[smem:$0x3FBB] =	sst s0  }
0x18: {  	s0 =	sld [smem:$0x3F9E];
	_ =	swait.ge [sflag:s4], $0x0  }
0x19: {  	s7 =	sld [smem:$0x3F9F]  }
0x1a: {  	s8 =	sadd.s32 $0xFFFFE003, lr  }
0x1b: {  	s9 =	sadd.s32 $0xFFFFFEF7, lr;
	s5 =	simm.s32 $0xFFFFFFFF;
	p2 =	slt.u32 s8, $0xFFFFF086  }
0x1c: {  	p1 =	slt.u32 s9, $0xF7A;
	s5 =	simm.s32 @!p2 $0x0  }
0x1d: {  	s5 =	simm.s32 @p1 $0x1;
	p0 =	seq.s32 s7, s2  }
0x1e: {  	s7 =	smul.u32 @!p0 $0xF7A, s2;
	p2 =	seq.s32 @!p0 s5, $0x0  }
0x1f: {  	s9 =	smul.u32 $0xF7A, s1;
	s8 =	simm.s32 @!p0 $0x1BF5;
	p2 =	por !p2, p0  }
0x20: {  	[sflag:s8] =	ssyncset.s32 @!p0 $0xFFFFF086;
	s6 =	sadd.s32 @!p0 s3, s7;
	s7 =	simm.s32 @!p0 $0x108  }
0x21: {  	s3 =	sadd.s32 s3, s9;
	s6 =	sadd.s32 @!p0 $0x88, s6;
	s7 =	simm.s32 @p2 $0x1082  }
0x22: {  	[simem:s7], [sflag:s8] =	dma.local @!p0 [hbm:s6], $0xF7A  }
0x23: {  	s9 =	sor.u32 $0xD0000000, s2;
	s6 =	simm.s32 $0x108;
	_ =	swait.ge @!p0 [sflag:s8], $0x0  }
0x24: {  	s3 =	sadd.s32 $0x88, s3;
	s6 =	simm.s32 @!p1 $0x1082;
	[sflag:s4] =	ssyncset.s32 $0xFFFFF086  }
0x25: {  	[simem:s6], [sflag:s4] =	dma.local [hbm:s3], $0xF7A  }
0x26: {  	[smem:$0x3F9F] =	sst s1;
	(tag) =	ssettag s2;
	_ =	strace s9  }
0x27: {  	s1 =	sld [smem:$0x3FAF]  }
0x28: {  	s2 =	sld [smem:$0x3FB0]  }
0x29: {  	s4 =	sld [smem:$0x3FB2]  }
0x2a: {  	p0 =	seq.s32 s5, $0x0;
	s5 =	sld [smem:$0x3FB3]  }
0x2b: {  	s6 =	sld [smem:$0x3FB4]  }
0x2c: {  	s7 =	sld [smem:$0x3FB5]  }
0x2d: {  	s3 =	simm.s32 $0x108;
	s8 =	sld [smem:$0x3FB6]  }
0x2e: {  	s3 =	simm.s32 @!p0 $0x1082;
	s9 =	sld [smem:$0x3FB7]  }
0x2f: {  	lr =	sadd.s32 s0, s3;
	s0 =	sld [smem:$0x3FAE]  }
0x30: {  	s3 =	sld [smem:$0x3FB1]  }
0x31: {  	[smem:$0x3FBA] =	sst s10  }
0x32: {  	s10 =	sld [smem:$0x3FB8];
	_ =	sdelay $0x3  }
0x33: {  	p0 =	seq.s32 s10, $0x1;
	s10 =	sld [smem:$0x3FBA];
	_ =	sdelay $0x3  }
0x34: {  	[smem:$0x3FBA] =	sst s10  }
0x35: {  	s10 =	sld [smem:$0x3FB9];
	_ =	sdelay $0x3  }
0x36: {  	p1 =	seq.s32 s10, $0x1;
	s10 =	sld [smem:$0x3FBA];
	_ =	sdelay $0x3  }
0x37: {  	[smem:$0x3FBA] =	sst s10  }
0x38: {  	s10 =	sld [smem:$0x3FBB]  }
0x39: {  	_ = 	snop;
	(pc) =	sbr.ind lr, $3  }
0x3a: {  	_ = 	snop  }
0x3b: {  	_ = 	snop  }
0x3c: {  	p2 =	seq.s32 s10, $0x1;
	s10 =	sld [smem:$0x3FBA]  }
0x3d: {  	_ =	shalt  }
0x3e: {  	_ =	shalt  }
0x3f: {  	_ =	shalt  }
0x40: {  	_ =	shalt  }
0x41: {  	_ =	shalt  }
0x42: {  	_ =	shalt  }
0x43: {  	_ =	shalt  }
0x44: {  	_ =	shalt  }
0x45: {  	_ =	shalt  }
0x46: {  	_ =	shalt  }
0x47: {  	_ =	shalt  }
0x48: {  	_ =	shalt  }
0x49: {  	_ =	shalt  }
0x4a: {  	_ =	shalt  }
0x4b: {  	_ =	shalt  }
0x4c: {  	_ =	shalt  }
0x4d: {  	_ =	shalt  }
0x4e: {  	_ =	shalt  }
0x4f: {  	_ =	shalt  }
0x50: {  	_ =	shalt  }
0x51: {  	_ =	shalt  }
0x52: {  	_ =	shalt  }
0x53: {  	_ =	shalt  }
0x54: {  	_ =	shalt  }
0x55: {  	_ =	shalt  }
0x56: {  	_ =	shalt  }
0x57: {  	_ =	shalt  }
0x58: {  	_ =	shalt  }
0x59: {  	_ =	shalt  }
0x5a: {  	_ =	shalt  }
0x5b: {  	_ =	shalt  }
0x5c: {  	_ =	shalt  }
0x5d: {  	_ =	shalt  }
0x5e: {  	_ =	shalt  }
0x5f: {  	_ =	shalt  }
0x60: {  	_ =	shalt  }
0x61: {  	_ =	shalt  }
0x62: {  	_ =	shalt  }
0x63: {  	_ =	shalt  }
0x64: {  	_ =	shalt  }
0x65: {  	_ =	shalt  }
0x66: {  	_ =	shalt  }
0x67: {  	_ =	shalt  }
0x68: {  	_ =	shalt  }
0x69: {  	_ =	shalt  }
0x6a: {  	_ =	shalt  }
0x6b: {  	_ =	shalt  }
0x6c: {  	_ =	shalt  }
0x6d: {  	_ =	shalt  }
0x6e: {  	_ =	shalt  }
0x6f: {  	_ =	shalt  }
0x70: {  	_ =	shalt  }
0x71: {  	_ =	shalt  }
0x72: {  	_ =	shalt  }
0x73: {  	_ =	shalt  }
0x74: {  	_ =	shalt  }
0x75: {  	_ =	shalt  }
0x76: {  	_ =	shalt  }
0x77: {  	_ =	shalt  }
0x78: {  	_ =	shalt  }
0x79: {  	_ =	shalt  }
0x7a: {  	_ =	shalt  }
0x7b: {  	_ =	shalt  }
0x7c: {  	_ =	shalt  }
0x7d: {  	_ =	shalt  }
0x7e: {  	_ =	shalt  }
0x7f: {  	_ =	shalt  }
0x80: {  	_ =	shalt  }
0x81: {  	_ =	shalt  }
0x82: {  	_ =	shalt  }
0x83: {  	_ =	shalt  }
0x84: {  	_ =	shalt  }
0x85: {  	_ =	shalt  }
0x86: {  	_ =	shalt  }
0x87: {  	_ =	shalt  }
.Lfunc_end0:
.L_simem_size_0:
called_computation_lowered:
.L_overlay_start_0:
0x88: {  	s2 =	sld [smem:$0x3FD9]  }
0x89: {  	s3 =	sld [smem:$0x3FFE];
	_ =	sdelay $0x1  }
0x8a: {  	s1 =	srdreg.scid  }
0x8b: {  	s0 =	sand.u32 $0x1, s1  }
0x8c: {  	s18 =	sshll.u32 s0, $0xA;
	s2 =	sadd.s32 s3, s2  }
0x8d: {  	s2 =	sadd.s32 s2, s18  }
0x8e: {  	[smem:$0x3FC6] =	sst s2  }
0x8f: {  	_ = 	snop  }
0x90: {  	s2 =	sld [smem:$0x3FC9]  }
0x91: {  	s19 =	sld [smem:$0x3FC8]  }
0x92: {  	s4 =	sld [smem:$0x3FD0];
	(tm) =	ssettm $0x1  }
0x93: {  	s5 =	sld [smem:$0x3FFB];
	_ =	sdelay $0x3  }
0x94: {  	_ =	strace s5  }
0x95: {  	s5 =	sld [smem:$0x3FFC];
	_ =	sdelay $0x3  }
0x96: {  	_ =	strace s5  }
0x97: {  	s5 =	sld [smem:$0x3FFD];
	_ =	sdelay $0x3  }
0x98: {  	_ =	strace s5  }
0x99: {  	_ =	strace $0x8FFFFFFF  }
0x9a: {  	s20 =	sld [smem:$0x3FDB];
	_ =	sdelay $0x1  }
0x9b: {  	s6 =	simm.s32 $_scs_section_size  }
0x9c: {  	s7 =	simm.s32 $_size__tile_overlayer_lowered;
	s8 =	simm.s32 $_tile_overlayer_lowered  }
0x9d: {  	s23 =	simm.s32 $0x1BFF;
	s22 =	sshll.u32 s8, $0x1;
	s5 =	sadd.s32 s6, s20  }
0x9e: {  	s9 =	simm.s32 $0x0;
	s21 =	sshll.u32 s7, $0x1;
	s7 =	sadd.s32 s22, s5  }
0x9f: {  	[timem:s9], [sflag:s23] =	dma.local [hbm:s7], s21  }
0xa0: {  	_ =	swait.ge [sflag:s23], s21  }
0xa1: {  	s6 =	ssub.s32 $0x0, s21;
	[sflag:s23] =	ssyncset.done $0x0  }
0xa2: {  	[sflag:s23] =	ssyncadd.s32 s6;
	_ =	sdelay $0x1  }
0xa3: {  	s24 =	simm.s32 $0x1B8B  }
0xa4: {  	_ =	swait.ge [sflag:s24], $0x1  }
0xa5: {  	[sflag:s24] =	ssyncset.done $0x0  }
0xa6: {  	s25 =	simm.s32 $0x1B8E;
	[sflag:s24] =	ssyncadd.s32 $0xFFFFFFFF  }
0xa7: {  	s26 =	simm.s32 $execute0_lowered;
	[smem:$0x3FD2] =	sst s25  }
0xa8: {  	s6 =	sshll.u32 s26, $0x1;
	_ =	strace $0x80000046;
	[dreg:$0x1] =	wrdreg $0xFFFFFFFF  }
0xa9: {  	s28 =	simm.s32 $_size_execute0_lowered;
	s5 =	sadd.s32 s5, s6;
	[dreg:$0x0] =	wrdreg $0x0  }
0xaa: {  	s6 =	sshll.u32 s28, $0x1;
	[dreg:$0x2] =	wrdreg s5  }
0xab: {  	[dreg:$0x3] =	wrdreg s6  }
0xac: {  	[dreg:$0x4] =	wrdreg $0xC0  }
0xad: {  	_ =	task [dreg:s9], $0x5FFFF  }
0xae: {  	[dreg:$0x1] =	wrdreg $0xFFFFFFFF  }
0xaf: {  	[dreg:$0x0] =	wrdreg $0x60  }
0xb0: {  	[dreg:$0x2] =	wrdreg s2  }
0xb1: {  	[dreg:$0x3] =	wrdreg s19  }
0xb2: {  	[dreg:$0x4] =	wrdreg s4  }
0xb3: {  	[dreg:$0x5] =	wrdreg $0x9  }
0xb4: {  	_ =	task.clear_ibuf [dreg:s9], $0x6FFFF;
	_ =	strace $0x90000046  }
0xb5: {  	s29 =	simm.s32 $0x9;
	_ =	strace $0x80000048  }
0xb6: {  	_ =	swait.ge [sflag:s29], $0x1  }
0xb7: {  	[sflag:s29] =	ssyncadd.s32 $0xFFFFFFFF  }
0xb8: {  	_ =	strace $0x90000048  }
0xb9: {  	_ =	sfence  }
0xba: {  	s30 =	sld [smem:$0x0];
	_ =	sdelay $0x2  }
0xbb: {  	s31 =	sshll.u32 s1, $0xD;
	s1 =	sshrl.u32 s1, $0x2  }
0xbc: {  	s3 =	sand.u32 $0x4000, s31;
	s1 =	sadd.s32 s1, s30  }
0xbd: {  	s0 =	sor.u32 s3, s0;
	s1 =	sshll.u32 s1, $0x11  }
0xbe: {  	s0 =	sor.u32 s1, s0  }
0xbf: {  	s0 =	sadd.s32 $0x8F2B, s0  }
0xc0: {  	[sflag:s0] =	ssyncadd.remote.s32 $0x1  }
0xc1: {  	_ =	sfence.sel $0xFFFF  }
0xc2: {  	[dreg:$0x0] =	wrdreg $0xFFFFFFFF;
	(pc) =	sbr.abs _section_cstart, $3  }
0xc3: {  	[dreg:$0x1] =	wrdreg $0xFFFFFFFF  }
0xc4: {  	_ =	task.clear_ibuf [dreg:s9], $0x2FFFF;
	_ =	strace $0x9FFFFFFF  }
0xc5: {  	(tm) =	ssettm $0x7FFFFFFF  }
tec
execute0_lowered:
.L_overlay_start_1:
0x0: {  	(tag) =	ssettag $0x1  }
0x1: {  	s0 =	rddreg [dreg:$0x0]  }
0x2: {  	s9 =	rddreg [dreg:$0x1]  }
0x3: {  	s1 =	rddreg [dreg:$0x2]  }
0x4: {  	s3 =	simm.s32 $0x0;
	s2 =	srdreg.scid;
	s10 =	stileid.u32  }
0x5: {  	s28 =	simm.s32 $0x2800;
	s29 =	simm.s32 $0x3800;
	s30 =	simm.s32 $0x2  }
0x6: {  	s31 =	simm.s32 $0x0;
	[smem:$0x7FF] =	sst s3;
	s2 =	sand.u32 $0x1, s2  }
0x7: {  	s6 =	sshrl.u32 s10, $0x2;
	s7 =	sshll.u32 s10, $0x1;
	s24 =	sshll.u32 s10, $0x9  }
0x8: {  	_ =	strace $0x80000047;
	s4 =	ssub.s32 $0x2, s2;
	s8 =	sshll.u32 s6, $0x8  }
0x9: {  	s2 =	sor.u32 s2, s7;
	s22 =	sshll.u32 s6, $0xB;
	s5 =	sshrl.u32 s4, $0x1  }
0xa: {  	s25 =	sshll.u32 s2, $0x7;
	s2 =	sshll.u32 s2, $0xA;
	s23 =	ssub.s32 s4, s5  }
0xb: {  	s4 =	sadd.s32 s0, s8;
	s5 =	sadd.s32 $0x200, s9;
	s0 =	ssub.s32 s24, s22  }
0xc: {  	s26 =	sand.u32 $0x380, s25;
	s6 =	sadd.s32 s1, s2;
	s0 =	sand.u32 $0xFFFFF800, s0  }
0xd: {  	s8 =	sadd.s32 $0x8000, s6;
	s9 =	sadd.s32 $0x10000, s6;
	s10 =	sadd.s32 $0x18000, s6  }
0xe: {  	s11 =	sadd.s32 $0x20000, s6;
	s12 =	sadd.s32 $0x28000, s6;
	s13 =	sadd.s32 $0x30000, s6  }
0xf: {  	s14 =	sadd.s32 $0x38000, s6;
	s15 =	sadd.s32 $0x200, s6;
	s16 =	sadd.s32 $0x8200, s6  }
0x10: {  	s17 =	sadd.s32 $0x10200, s6;
	s18 =	sadd.s32 $0x18200, s6;
	s19 =	sadd.s32 $0x20200, s6  }
0x11: {  	s20 =	sadd.s32 $0x28200, s6;
	s21 =	sadd.s32 $0x30200, s6;
	s22 =	sadd.s32 $0x38200, s6  }
0x12: {  	s23 =	smax.u32 s23, $0x1;
	s7 =	sor.u32 s26, s0;
	s26 =	simm.s32 $0x1  }
.LBB2_1:
0x13: {  	[tilespmem:s3], [sflag:$0x1] =	stream.linear.gather [hbm4b:s4+s3], $0x800, $0x38;
	[tilespmem:$0x4800] =	vst v63  }
0x14: {  	s0 =	rddreg [dreg:$0x1];
	s1 =	simm.s32 $0x800  }
0x15: {  	[tilespmem:s1], [sflag:$0x1] =	stream.linear.gather [hbm4b:s0+s3], $0x1000, $0x38;
	[tilespmem:$0x4800] =	vst v63  }
0x16: {  	s1 =	simm.s32 $0x1800  }
0x17: {  	[tilespmem:s1], [sflag:$0x1] =	stream.linear.gather [hbm4b:s5+s3], $0x1000, $0x38;
	[tilespmem:$0x4800] =	vst v63  }
0x18: {  	_ =	swait.ge [sflag:s26], $0x800  }
0x19: {  	[sflag:s26] =	ssyncset.done $0x0  }
0x1a: {  	[sflag:s26] =	ssyncadd.s32 $0xFFFFF800  }
0x1b: {  	v14 =	vld [tilespmem:s7+$0x0]  }
0x1c: {  	v13 =	vld [tilespmem:s7+$0x10]  }
0x1d: {  	v12 =	vld [tilespmem:s7+$0x20]  }
0x1e: {  	v11 =	vld [tilespmem:s7+$0x30]  }
0x1f: {  	v10 =	vld [tilespmem:s7+$0x40]  }
0x20: {  	v9 =	vld [tilespmem:s7+$0x50]  }
0x21: {  	v8 =	vld [tilespmem:s7+$0x60]  }
0x22: {  	v7 =	vld [tilespmem:s7+$0x70]  }
0x23: {  	v6 =	vld [tilespmem:s7+$0x400]  }
0x24: {  	v5 =	vld [tilespmem:s7+$0x410]  }
0x25: {  	v4 =	vld [tilespmem:s7+$0x420]  }
0x26: {  	v3 =	vld [tilespmem:s7+$0x430]  }
0x27: {  	v2 =	vld [tilespmem:s7+$0x440]  }
0x28: {  	v1 =	vld [tilespmem:s7+$0x450]  }
0x29: {  	v0 =	vld [tilespmem:s7+$0x460]  }
0x2a: {  	v15 =	vld [tilespmem:s7+$0x470];
	_ =	swait.ge [sflag:s26], $0x1000  }
0x2b: {  	s2 =	sand.u32 $0x800, s3;
	s24 =	sand.u32 $0x380, s3;
	[sflag:s26] =	ssyncset.done $0x0  }
0x2c: {  	s0 =	sor.u32 s24, s2;
	[sflag:s26] =	ssyncadd.s32 $0xFFFFF000  }
0x2d: {  	v16 =	vld [tilespmem:s0+$0xC70]  }
0x2e: {  	v17 =	vld [tilespmem:s0+$0x800]  }
0x2f: {  	v18 =	vld [tilespmem:s0+$0x810]  }
0x30: {  	v19 =	vld [tilespmem:s0+$0x820]  }
0x31: {  	v20 =	vld [tilespmem:s0+$0x830]  }
0x32: {  	v21 =	vld [tilespmem:s0+$0x840];
	v16 =	vadd.f32 v16, v15  }
0x33: {  	v22 =	vld [tilespmem:s0+$0x850];
	v17 =	vadd.f32 v17, v14  }
0x34: {  	v23 =	vld [tilespmem:s0+$0x860];
	[tilespmem:s0+$0x2C70] =	vst v16;
	v16 =	vadd.f32 v18, v13  }
0x35: {  	v24 =	vld [tilespmem:s0+$0x870];
	[tilespmem:s0+$0x2800] =	vst v17;
	v17 =	vadd.f32 v19, v12  }
0x36: {  	v25 =	vld [tilespmem:s0+$0xC00];
	[tilespmem:s0+$0x2810] =	vst v16;
	v16 =	vadd.f32 v20, v11  }
0x37: {  	v19 =	vld [tilespmem:s0+$0xC10];
	[tilespmem:s0+$0x2820] =	vst v17;
	v17 =	vadd.f32 v21, v10  }
0x38: {  	v18 =	vadd.f32 v22, v9;
	[tilespmem:s0+$0x2830] =	vst v16;
	v16 =	vld [tilespmem:s0+$0xC20]  }
0x39: {  	v20 =	vadd.f32 v23, v8;
	[tilespmem:s0+$0x2840] =	vst v17;
	v17 =	vld [tilespmem:s0+$0xC30]  }
0x3a: {  	s25 =	simm.s32 $0x100;
	s2 =	simm.s32 $0x80;
	[tilespmem:s0+$0x2850] =	vst v18;
	v18 =	vld [tilespmem:s0+$0xC40];
	v21 =	vadd.f32 v24, v7  }
0x3b: {  	s24 =	sand.u32 $0x800, s25;
	s25 =	sand.u32 $0x380, s2;
	s1 =	simm.s32 $0x200;
	v22 =	vadd.f32 v25, v6;
	[tilespmem:s0+$0x2860] =	vst v20;
	v20 =	vld [tilespmem:s0+$0xC50]  }
.LBB2_2:
0x3c: {  	p0 =	sne.s32 s1, $0xF00;
	s24 =	sor.u32 s25, s24;
	[tilespmem:s0+$0x2870] =	vst v21;
	v19 =	vadd.f32 v19, v5;
	v21 =	vld [tilespmem:s0+$0xC60]  }
0x3d: {  	v23 =	vld [tilespmem:s24+$0xC70];
	[tilespmem:s0+$0x2C00] =	vst v22;
	v16 =	vadd.f32 v16, v4  }
0x3e: {  	v22 =	vld [tilespmem:s24+$0x800];
	[tilespmem:s0+$0x2C10] =	vst v19;
	v17 =	vadd.f32 v17, v3  }
0x3f: {  	v19 =	vld [tilespmem:s24+$0x810];
	[tilespmem:s0+$0x2C20] =	vst v16;
	v16 =	vadd.f32 v18, v2  }
0x40: {  	v18 =	vld [tilespmem:s24+$0x820];
	[tilespmem:s0+$0x2C30] =	vst v17;
	v17 =	vadd.f32 v20, v1  }
0x41: {  	v20 =	vld [tilespmem:s24+$0x830];
	[tilespmem:s0+$0x2C40] =	vst v16;
	v16 =	vadd.f32 v21, v0  }
0x42: {  	v21 =	vld [tilespmem:s24+$0x840];
	v23 =	vadd.f32 v23, v15;
	[tilespmem:s0+$0x2C50] =	vst v17  }
0x43: {  	v17 =	vadd.f32 v22, v14;
	v22 =	vld [tilespmem:s24+$0x850];
	[tilespmem:s0+$0x2C60] =	vst v16;
	s0 =	smov.u32 s24  }
0x44: {  	v16 =	vadd.f32 v19, v13;
	v24 =	vld [tilespmem:s0+$0x860];
	[tilespmem:s0+$0x2C70] =	vst v23  }
0x45: {  	[tilespmem:s0+$0x2800] =	vst v17;
	v17 =	vadd.f32 v18, v12;
	v18 =	vld [tilespmem:s0+$0x870]  }
0x46: {  	[tilespmem:s0+$0x2810] =	vst v16;
	v16 =	vadd.f32 v20, v11;
	v20 =	vld [tilespmem:s0+$0xC00]  }
.Ltmp0:
0x47: {  	[tilespmem:s0+$0x2820] =	vst v17;
	v17 =	vadd.f32 v21, v10;
	v19 =	vld [tilespmem:s0+$0xC10];
	(pc) =	sbr.rel @p0 .LBB2_2-.Ltmp0, $4  }
0x48: {  	[tilespmem:s0+$0x2830] =	vst v16;
	v21 =	vadd.f32 v22, v9;
	v16 =	vld [tilespmem:s0+$0xC20]  }
0x49: {  	[tilespmem:s0+$0x2840] =	vst v17;
	v22 =	vadd.f32 v24, v8;
	v17 =	vld [tilespmem:s0+$0xC30]  }
0x4a: {  	s2 =	sadd.s32 $0x80, s2;
	[tilespmem:s0+$0x2850] =	vst v21;
	v21 =	vadd.f32 v18, v7;
	v18 =	vld [tilespmem:s0+$0xC40]  }
0x4b: {  	s25 =	sand.u32 $0x380, s2;
	s24 =	sand.u32 $0x800, s1;
	s1 =	sadd.s32 $0x100, s1;
	[tilespmem:s0+$0x2860] =	vst v22;
	v22 =	vadd.f32 v20, v6;
	v20 =	vld [tilespmem:s0+$0xC50]  }
0x4c: {  	[tilespmem:s0+$0x2870] =	vst v21;
	s1 =	sor.u32 s25, s24;
	v21 =	vld [tilespmem:s0+$0xC60];
	v19 =	vadd.f32 v19, v5  }
0x4d: {  	v23 =	vld [tilespmem:s1+$0xC70];
	[tilespmem:s0+$0x2C00] =	vst v22;
	v16 =	vadd.f32 v16, v4  }
0x4e: {  	v22 =	vld [tilespmem:s1+$0x800];
	[tilespmem:s0+$0x2C10] =	vst v19;
	v17 =	vadd.f32 v17, v3  }
0x4f: {  	v19 =	vld [tilespmem:s1+$0x810];
	[tilespmem:s0+$0x2C20] =	vst v16;
	v18 =	vadd.f32 v18, v2  }
0x50: {  	v16 =	vld [tilespmem:s1+$0x820];
	[tilespmem:s0+$0x2C30] =	vst v17;
	v20 =	vadd.f32 v20, v1  }
0x51: {  	v17 =	vld [tilespmem:s1+$0x830];
	[tilespmem:s0+$0x2C40] =	vst v18;
	v21 =	vadd.f32 v21, v0  }
0x52: {  	v18 =	vld [tilespmem:s1+$0x840];
	[tilespmem:s0+$0x2C50] =	vst v20;
	v20 =	vadd.f32 v23, v15  }
0x53: {  	v23 =	vld [tilespmem:s1+$0x850];
	v22 =	vadd.f32 v22, v14;
	[tilespmem:s0+$0x2C60] =	vst v21  }
0x54: {  	v19 =	vadd.f32 v19, v13;
	v21 =	vld [tilespmem:s1+$0x860];
	[tilespmem:s1+$0x2C70] =	vst v20  }
0x55: {  	v20 =	vld [tilespmem:s1+$0x870];
	[tilespmem:s1+$0x2800] =	vst v22;
	v16 =	vadd.f32 v16, v12  }
0x56: {  	[tilespmem:s1+$0x2810] =	vst v19;
	v17 =	vadd.f32 v17, v11;
	v19 =	vld [tilespmem:s1+$0xC00]  }
0x57: {  	[tilespmem:s1+$0x2820] =	vst v16;
	v16 =	vadd.f32 v18, v10;
	v18 =	vld [tilespmem:s1+$0xC10]  }
0x58: {  	v22 =	vld [tilespmem:s1+$0xC20];
	[tilespmem:s1+$0x2830] =	vst v17;
	v17 =	vadd.f32 v23, v9  }
0x59: {  	[tilespmem:s1+$0x2840] =	vst v16;
	v16 =	vadd.f32 v21, v8;
	v21 =	vld [tilespmem:s1+$0xC30]  }
0x5a: {  	[tilespmem:s1+$0x2850] =	vst v17;
	v17 =	vadd.f32 v20, v7;
	v20 =	vld [tilespmem:s1+$0xC40]  }
0x5b: {  	[tilespmem:s1+$0x2860] =	vst v16;
	v16 =	vadd.f32 v19, v6;
	v19 =	vld [tilespmem:s1+$0xC50]  }
0x5c: {  	[tilespmem:s1+$0x2870] =	vst v17;
	v17 =	vadd.f32 v18, v5;
	v18 =	vld [tilespmem:s1+$0xC60]  }
0x5d: {  	[tilespmem:s1+$0x2C00] =	vst v16;
	v16 =	vadd.f32 v22, v4  }
0x5e: {  	[tilespmem:s1+$0x2C10] =	vst v17;
	v17 =	vadd.f32 v21, v3  }
0x5f: {  	[tilespmem:s1+$0x2C20] =	vst v16;
	v16 =	vadd.f32 v20, v2  }
0x60: {  	[tilespmem:s1+$0x2C30] =	vst v17;
	v17 =	vadd.f32 v19, v1  }
0x61: {  	[tilespmem:s1+$0x2C40] =	vst v16;
	v16 =	vadd.f32 v18, v0  }
0x62: {  	[tilespmem:s1+$0x2C50] =	vst v17  }
0x63: {  	[tilespmem:s1+$0x2C60] =	vst v16  }
0x64: {  	[hbm4b:s6+s3] =	stream.linear.scatter [tilespmem:s28], [sflag:$0x2], $0x1000, $0x38;
	[tilespmem:$0x4800] =	vst v63  }
0x65: {  	_ = 	snop  }
0x66: {  	[hbm4b:s8+s3] =	stream.linear.scatter [tilespmem:s28], [sflag:$0x2], $0x1000, $0x38;
	[tilespmem:$0x4800] =	vst v63  }
0x67: {  	_ = 	snop  }
0x68: {  	[hbm4b:s9+s3] =	stream.linear.scatter [tilespmem:s28], [sflag:$0x2], $0x1000, $0x38;
	[tilespmem:$0x4800] =	vst v63  }
0x69: {  	_ = 	snop  }
0x6a: {  	[hbm4b:s10+s3] =	stream.linear.scatter [tilespmem:s28], [sflag:$0x2], $0x1000, $0x38;
	[tilespmem:$0x4800] =	vst v63  }
0x6b: {  	_ = 	snop  }
0x6c: {  	[hbm4b:s11+s3] =	stream.linear.scatter [tilespmem:s28], [sflag:$0x2], $0x1000, $0x38;
	[tilespmem:$0x4800] =	vst v63  }
0x6d: {  	_ = 	snop  }
0x6e: {  	[hbm4b:s12+s3] =	stream.linear.scatter [tilespmem:s28], [sflag:$0x2], $0x1000, $0x38;
	[tilespmem:$0x4800] =	vst v63  }
0x6f: {  	_ = 	snop  }
0x70: {  	[hbm4b:s13+s3] =	stream.linear.scatter [tilespmem:s28], [sflag:$0x2], $0x1000, $0x38;
	[tilespmem:$0x4800] =	vst v63  }
0x71: {  	_ = 	snop  }
0x72: {  	[hbm4b:s14+s3] =	stream.linear.scatter [tilespmem:s28], [sflag:$0x2], $0x1000, $0x38;
	[tilespmem:$0x4800] =	vst v63  }
0x73: {  	s2 =	simm.s32 $0x1000;
	s24 =	simm.s32 $0x800;
	_ =	swait.ge [sflag:s26], $0x1000  }
0x74: {  	s0 =	sand.u32 $0x1800, s2;
	s1 =	sand.u32 $0x380, s24;
	[sflag:s26] =	ssyncset.done $0x0  }
0x75: {  	s0 =	sor.u32 s1, s0;
	[sflag:s26] =	ssyncadd.s32 $0xFFFFF000  }
0x76: {  	v16 =	vld [tilespmem:s0+$0xC70]  }
0x77: {  	v17 =	vld [tilespmem:s0+$0x800]  }
0x78: {  	v18 =	vld [tilespmem:s0+$0x810]  }
0x79: {  	v19 =	vld [tilespmem:s0+$0x820]  }
0x7a: {  	v20 =	vld [tilespmem:s0+$0x830]  }
0x7b: {  	v21 =	vld [tilespmem:s0+$0x840];
	v16 =	vadd.f32 v16, v15  }
0x7c: {  	v22 =	vld [tilespmem:s0+$0x850];
	v17 =	vadd.f32 v17, v14  }
0x7d: {  	v23 =	vld [tilespmem:s0+$0x860];
	[tilespmem:s0+$0x2C70] =	vst v16;
	v16 =	vadd.f32 v18, v13  }
0x7e: {  	v24 =	vld [tilespmem:s0+$0x870];
	[tilespmem:s0+$0x2800] =	vst v17;
	v17 =	vadd.f32 v19, v12  }
0x7f: {  	v25 =	vld [tilespmem:s0+$0xC00];
	[tilespmem:s0+$0x2810] =	vst v16;
	v16 =	vadd.f32 v20, v11  }
0x80: {  	v19 =	vld [tilespmem:s0+$0xC10];
	[tilespmem:s0+$0x2820] =	vst v17;
	v17 =	vadd.f32 v21, v10  }
0x81: {  	v18 =	vadd.f32 v22, v9;
	[tilespmem:s0+$0x2830] =	vst v16;
	v16 =	vld [tilespmem:s0+$0xC20]  }
0x82: {  	v20 =	vadd.f32 v23, v8;
	[tilespmem:s0+$0x2840] =	vst v17;
	v17 =	vld [tilespmem:s0+$0xC30]  }
0x83: {  	s25 =	simm.s32 $0x1100;
	s2 =	simm.s32 $0x880;
	[tilespmem:s0+$0x2850] =	vst v18;
	v18 =	vld [tilespmem:s0+$0xC40];
	v21 =	vadd.f32 v24, v7  }
0x84: {  	s24 =	sand.u32 $0x1800, s25;
	s25 =	sand.u32 $0x380, s2;
	s1 =	simm.s32 $0x1200;
	v22 =	vadd.f32 v25, v6;
	[tilespmem:s0+$0x2860] =	vst v20;
	v20 =	vld [tilespmem:s0+$0xC50]  }
.LBB2_4:
0x85: {  	p0 =	sne.s32 s1, $0x1F00;
	s24 =	sor.u32 s25, s24;
	[tilespmem:s0+$0x2870] =	vst v21;
	v19 =	vadd.f32 v19, v5;
	v21 =	vld [tilespmem:s0+$0xC60]  }
0x86: {  	v23 =	vld [tilespmem:s24+$0xC70];
	[tilespmem:s0+$0x2C00] =	vst v22;
	v16 =	vadd.f32 v16, v4  }
0x87: {  	v22 =	vld [tilespmem:s24+$0x800];
	[tilespmem:s0+$0x2C10] =	vst v19;
	v17 =	vadd.f32 v17, v3  }
0x88: {  	v19 =	vld [tilespmem:s24+$0x810];
	[tilespmem:s0+$0x2C20] =	vst v16;
	v16 =	vadd.f32 v18, v2  }
0x89: {  	v18 =	vld [tilespmem:s24+$0x820];
	[tilespmem:s0+$0x2C30] =	vst v17;
	v17 =	vadd.f32 v20, v1  }
0x8a: {  	v20 =	vld [tilespmem:s24+$0x830];
	[tilespmem:s0+$0x2C40] =	vst v16;
	v16 =	vadd.f32 v21, v0  }
0x8b: {  	v21 =	vld [tilespmem:s24+$0x840];
	v23 =	vadd.f32 v23, v15;
	[tilespmem:s0+$0x2C50] =	vst v17  }
0x8c: {  	v17 =	vadd.f32 v22, v14;
	v22 =	vld [tilespmem:s24+$0x850];
	[tilespmem:s0+$0x2C60] =	vst v16;
	s0 =	smov.u32 s24  }
0x8d: {  	v16 =	vadd.f32 v19, v13;
	v24 =	vld [tilespmem:s0+$0x860];
	[tilespmem:s0+$0x2C70] =	vst v23  }
0x8e: {  	[tilespmem:s0+$0x2800] =	vst v17;
	v17 =	vadd.f32 v18, v12;
	v18 =	vld [tilespmem:s0+$0x870]  }
0x8f: {  	[tilespmem:s0+$0x2810] =	vst v16;
	v16 =	vadd.f32 v20, v11;
	v20 =	vld [tilespmem:s0+$0xC00]  }
.Ltmp1:
0x90: {  	[tilespmem:s0+$0x2820] =	vst v17;
	v17 =	vadd.f32 v21, v10;
	v19 =	vld [tilespmem:s0+$0xC10];
	(pc) =	sbr.rel @p0 .LBB2_4-.Ltmp1, $4  }
0x91: {  	[tilespmem:s0+$0x2830] =	vst v16;
	v21 =	vadd.f32 v22, v9;
	v16 =	vld [tilespmem:s0+$0xC20]  }
0x92: {  	[tilespmem:s0+$0x2840] =	vst v17;
	v22 =	vadd.f32 v24, v8;
	v17 =	vld [tilespmem:s0+$0xC30]  }
0x93: {  	s2 =	sadd.s32 $0x80, s2;
	[tilespmem:s0+$0x2850] =	vst v21;
	v21 =	vadd.f32 v18, v7;
	v18 =	vld [tilespmem:s0+$0xC40]  }
0x94: {  	s25 =	sand.u32 $0x380, s2;
	s24 =	sand.u32 $0x1800, s1;
	s1 =	sadd.s32 $0x100, s1;
	[tilespmem:s0+$0x2860] =	vst v22;
	v22 =	vadd.f32 v20, v6;
	v20 =	vld [tilespmem:s0+$0xC50]  }
0x95: {  	[tilespmem:s0+$0x2870] =	vst v21;
	s1 =	sor.u32 s25, s24;
	v48 =	vld [tilespmem:s0+$0xC60];
	v19 =	vadd.f32 v19, v5  }
0x96: {  	v23 =	vld [tilespmem:s1+$0xC70];
	[tilespmem:s0+$0x2C00] =	vst v22;
	v16 =	vadd.f32 v16, v4  }
0x97: {  	v22 =	vld [tilespmem:s1+$0x800];
	[tilespmem:s0+$0x2C10] =	vst v19;
	v17 =	vadd.f32 v17, v3  }
0x98: {  	v19 =	vld [tilespmem:s1+$0x810];
	[tilespmem:s0+$0x2C20] =	vst v16;
	v18 =	vadd.f32 v18, v2  }
0x99: {  	v16 =	vld [tilespmem:s1+$0x820];
	[tilespmem:s0+$0x2C30] =	vst v17;
	v20 =	vadd.f32 v20, v1  }
0x9a: {  	v17 =	vld [tilespmem:s1+$0x830];
	[tilespmem:s0+$0x2C40] =	vst v18;
	v21 =	vadd.f32 v48, v0  }
0x9b: {  	v18 =	vld [tilespmem:s1+$0x840];
	[tilespmem:s0+$0x2C50] =	vst v20;
	v15 =	vadd.f32 v23, v15  }
0x9c: {  	v20 =	vld [tilespmem:s1+$0x850];
	v14 =	vadd.f32 v22, v14;
	[tilespmem:s0+$0x2C60] =	vst v21  }
0x9d: {  	v13 =	vadd.f32 v19, v13;
	v49 =	vld [tilespmem:s1+$0x860];
	[tilespmem:s1+$0x2C70] =	vst v15  }
0x9e: {  	v50 =	vld [tilespmem:s1+$0x870];
	[tilespmem:s1+$0x2800] =	vst v14;
	v12 =	vadd.f32 v16, v12  }
0x9f: {  	v51 =	vld [tilespmem:s1+$0xC00];
	[tilespmem:s1+$0x2810] =	vst v13;
	v11 =	vadd.f32 v17, v11  }
0xa0: {  	v52 =	vld [tilespmem:s1+$0xC10];
	[tilespmem:s1+$0x2820] =	vst v12;
	v10 =	vadd.f32 v18, v10  }
0xa1: {  	v53 =	vld [tilespmem:s1+$0xC20];
	[tilespmem:s1+$0x2830] =	vst v11;
	v9 =	vadd.f32 v20, v9  }
0xa2: {  	v54 =	vld [tilespmem:s1+$0xC30];
	[tilespmem:s1+$0x2840] =	vst v10;
	v8 =	vadd.f32 v49, v8  }
0xa3: {  	v55 =	vld [tilespmem:s1+$0xC40];
	v7 =	vadd.f32 v50, v7;
	[tilespmem:s1+$0x2850] =	vst v9  }
0xa4: {  	v56 =	vld [tilespmem:s1+$0xC50];
	v6 =	vadd.f32 v51, v6;
	[tilespmem:s1+$0x2860] =	vst v8  }
0xa5: {  	v58 =	vld [tilespmem:s1+$0xC60];
	v57 =	vadd.f32 v52, v5;
	[tilespmem:s1+$0x2870] =	vst v7  }
0xa6: {  	v59 =	vadd.f32 v53, v4;
	[tilespmem:s1+$0x2C00] =	vst v6  }
0xa7: {  	v60 =	vadd.f32 v54, v3;
	[tilespmem:s1+$0x2C10] =	vst v57  }
0xa8: {  	v61 =	vadd.f32 v55, v2;
	[tilespmem:s1+$0x2C20] =	vst v59  }
0xa9: {  	v62 =	vadd.f32 v56, v1;
	[tilespmem:s1+$0x2C30] =	vst v60  }
0xaa: {  	v63 =	vadd.f32 v58, v0;
	[tilespmem:s1+$0x2C40] =	vst v61  }
0xab: {  	[tilespmem:s1+$0x2C50] =	vst v62  }
0xac: {  	[tilespmem:s1+$0x2C60] =	vst v63  }
0xad: {  	[hbm4b:s15+s3] =	stream.linear.scatter [tilespmem:s29], [sflag:$0x2], $0x1000, $0x38;
	[tilespmem:$0x4800] =	vst v63  }
0xae: {  	_ = 	snop  }
0xaf: {  	[hbm4b:s16+s3] =	stream.linear.scatter [tilespmem:s29], [sflag:$0x2], $0x1000, $0x38;
	[tilespmem:$0x4800] =	vst v63  }
0xb0: {  	_ = 	snop  }
0xb1: {  	[hbm4b:s17+s3] =	stream.linear.scatter [tilespmem:s29], [sflag:$0x2], $0x1000, $0x38;
	[tilespmem:$0x4800] =	vst v63  }
0xb2: {  	_ = 	snop  }
0xb3: {  	[hbm4b:s18+s3] =	stream.linear.scatter [tilespmem:s29], [sflag:$0x2], $0x1000, $0x38;
	[tilespmem:$0x4800] =	vst v63  }
0xb4: {  	_ = 	snop  }
0xb5: {  	[hbm4b:s19+s3] =	stream.linear.scatter [tilespmem:s29], [sflag:$0x2], $0x1000, $0x38;
	[tilespmem:$0x4800] =	vst v63  }
0xb6: {  	_ = 	snop  }
0xb7: {  	[hbm4b:s20+s3] =	stream.linear.scatter [tilespmem:s29], [sflag:$0x2], $0x1000, $0x38;
	[tilespmem:$0x4800] =	vst v63  }
0xb8: {  	_ = 	snop  }
0xb9: {  	[hbm4b:s21+s3] =	stream.linear.scatter [tilespmem:s29], [sflag:$0x2], $0x1000, $0x38;
	[tilespmem:$0x4800] =	vst v63  }
0xba: {  	_ = 	snop  }
0xbb: {  	[hbm4b:s22+s3] =	stream.linear.scatter [tilespmem:s29], [sflag:$0x2], $0x1000, $0x38;
	[tilespmem:$0x4800] =	vst v63  }
0xbc: {  	_ =	swait.ge [sflag:s30], $0x1000  }
0xbd: {  	[sflag:s30] =	ssyncset.done $0x0  }
0xbe: {  	[sflag:s30] =	ssyncadd.s32 $0xFFFFF000  }
0xbf: {  	_ =	swait.ge [sflag:s30], $0x1000  }
0xc0: {  	[sflag:s30] =	ssyncset.done $0x0  }
0xc1: {  	[sflag:s30] =	ssyncadd.s32 $0xFFFFF000  }
0xc2: {  	_ =	swait.ge [sflag:s30], $0x1000  }
0xc3: {  	[sflag:s30] =	ssyncset.done $0x0  }
0xc4: {  	[sflag:s30] =	ssyncadd.s32 $0xFFFFF000  }
0xc5: {  	_ =	swait.ge [sflag:s30], $0x1000  }
0xc6: {  	[sflag:s30] =	ssyncset.done $0x0  }
0xc7: {  	[sflag:s30] =	ssyncadd.s32 $0xFFFFF000  }
0xc8: {  	_ =	swait.ge [sflag:s30], $0x1000  }
0xc9: {  	[sflag:s30] =	ssyncset.done $0x0  }
0xca: {  	[sflag:s30] =	ssyncadd.s32 $0xFFFFF000  }
0xcb: {  	_ =	swait.ge [sflag:s30], $0x1000  }
0xcc: {  	[sflag:s30] =	ssyncset.done $0x0  }
0xcd: {  	[sflag:s30] =	ssyncadd.s32 $0xFFFFF000  }
0xce: {  	_ =	swait.ge [sflag:s30], $0x1000  }
0xcf: {  	[sflag:s30] =	ssyncset.done $0x0  }
0xd0: {  	[sflag:s30] =	ssyncadd.s32 $0xFFFFF000  }
0xd1: {  	_ =	swait.ge [sflag:s30], $0x1000  }
0xd2: {  	[sflag:s30] =	ssyncset.done $0x0  }
0xd3: {  	[sflag:s30] =	ssyncadd.s32 $0xFFFFF000  }
0xd4: {  	_ =	swait.ge [sflag:s30], $0x1000  }
0xd5: {  	[sflag:s30] =	ssyncset.done $0x0  }
0xd6: {  	[sflag:s30] =	ssyncadd.s32 $0xFFFFF000  }
0xd7: {  	_ =	swait.ge [sflag:s30], $0x1000  }
0xd8: {  	[sflag:s30] =	ssyncset.done $0x0  }
0xd9: {  	[sflag:s30] =	ssyncadd.s32 $0xFFFFF000  }
0xda: {  	_ =	swait.ge [sflag:s30], $0x1000  }
0xdb: {  	[sflag:s30] =	ssyncset.done $0x0  }
0xdc: {  	[sflag:s30] =	ssyncadd.s32 $0xFFFFF000  }
0xdd: {  	_ =	swait.ge [sflag:s30], $0x1000  }
0xde: {  	[sflag:s30] =	ssyncset.done $0x0  }
0xdf: {  	[sflag:s30] =	ssyncadd.s32 $0xFFFFF000  }
0xe0: {  	_ =	swait.ge [sflag:s30], $0x1000  }
0xe1: {  	[sflag:s30] =	ssyncset.done $0x0  }
0xe2: {  	[sflag:s30] =	ssyncadd.s32 $0xFFFFF000  }
0xe3: {  	_ =	swait.ge [sflag:s30], $0x1000  }
0xe4: {  	[sflag:s30] =	ssyncset.done $0x0  }
0xe5: {  	s31 =	sadd.s32 $0x1, s31;
	[sflag:s30] =	ssyncadd.s32 $0xFFFFF000  }
0xe6: {  	p0 =	sne.s32 s31, s23;
	_ =	swait.ge [sflag:s30], $0x1000  }
.Ltmp2:
0xe7: {  	[sflag:s30] =	ssyncset.done $0x0;
	(pc) =	sbr.rel @p0 .LBB2_1-.Ltmp2, $4  }
0xe8: {  	[sflag:s30] =	ssyncadd.s32 $0xFFFFF000  }
0xe9: {  	_ =	swait.ge [sflag:s30], $0x1000  }
0xea: {  	[sflag:s30] =	ssyncset.done $0x0  }
0xeb: {  	[sflag:s30] =	ssyncadd.s32 $0xFFFFF000  }
0xec: {  	_ =	sfence.sel $0x180000  }
0xed: {  	[bflag:$0x0] =	sbarrier.arrive $0xFFFF  }
0xee: {  	_ =	strace $0x90000047  }
0xef: {  	s0 =	stileid.u32;
	[bflag:$0x2] =	sbarrier.arrive $0xFFFF  }
0xf0: {  	p0 =	sne.s32 s0, $0x0;
	s0 =	rddreg [dreg:$0x3]  }
0xf1: {  	s0 =	sadd.s32 @!p0 $0x100000, s0  }
0xf2: {  	[sflag:s0] =	ssyncadd.tile.s32 @!p0 $0x1;
	_ =	shalt  }
.Lfunc_end2:
_tile_overlayer_lowered:
.L_overlay_start_2:
0xf3: {  	(tag) =	ssettag $0x2  }
0xf4: {  	s0 =	rddreg [dreg:$0x0];
	s2 =	stileid.u32  }
0xf5: {  	s1 =	rddreg [dreg:$0x1];
	p0 =	sne.s32 s2, $0x0  }
0xf6: {  	s3 =	rddreg [dreg:$0x2];
	[bflag:$0x3] =	sbarrier.arrive $0xFFFF;
	s2 =	simm.s32 @!p0 $0x1C03  }
0xf7: {  	[timem:s3], [sflag:s2] =	dma.local @!p0 [hbm:s0], s1  }
0xf8: {  	s0 =	simm.s32 @!p0 $0x3  }
0xf9: {  	_ =	swait.ge @!p0 [sflag:s0], s1  }
0xfa: {  	s1 =	ssub.s32 @!p0 $0x0, s1;
	[sflag:s0] =	ssyncset.done @!p0 $0x0  }
0xfb: {  	[sflag:s0] =	ssyncadd.s32 @!p0 s1  }
0xfc: {  	[bflag:$0x3] =	sbarrier.arrive $0xFFFF  }
0xfd: {  	_ =	shalt  }

</sc_bundles>
